<compile_context>
chip_gen: v7x
topology: tpu7x:2x2x1
jax: 0.10.2.dev20260603
libtpu: 0.0.44.dev20260713+nightly
codegen_flags: <defaults>
</compile_context>

<pallas_src>
import functools

import jax
import jax.numpy as jnp
from jax import lax
from jax.experimental import pallas as pl
from jax.experimental.pallas import tpu as pltpu
from jax.experimental.pallas import tpu_sc as plsc

F32 = jnp.float32
_PREC = lax.Precision.HIGHEST


def _sc_edge_scatter(g, src, dst):
    N, H = g.shape
    E = src.shape[0]
    NC, NS = 2, 16
    NW = NC * NS
    assert E % NW == 0 and H % 16 == 0 and N % NS == 0
    EW = E // NW
    B = 128
    nfull, tail = divmod(EW, B)
    RPT = -(-(N // NS) // 8) * 8
    NPAD = RPT * NS

    mesh = plsc.VectorSubcoreMesh(core_axis_name="c", subcore_axis_name="s")
    scratch = [
        pltpu.VMEM((B,), jnp.int32),
        pltpu.VMEM((B,), jnp.int32),
        pltpu.VMEM((B, H), F32),
        pltpu.VMEM_SHARED((NPAD, H), F32),
        pltpu.VMEM((RPT, H), F32),
        pltpu.SemaphoreType.DMA,
    ]
    if tail:
        scratch += [
            pltpu.VMEM((tail,), jnp.int32),
            pltpu.VMEM((tail,), jnp.int32),
            pltpu.VMEM((tail, H), F32),
        ]

    @functools.partial(
        pl.kernel,
        out_type=jax.ShapeDtypeStruct((NC, NPAD, H), F32),
        mesh=mesh,
        scratch_types=scratch,
        compiler_params=pltpu.CompilerParams(use_tc_tiling_on_sc=False),
    )
    def k(g_hbm, src_hbm, dst_hbm, out_hbm, si, di, rows, acc, stage, sem,
          *tailrefs):
        c = lax.axis_index("c")
        s = lax.axis_index("s")
        w = s * NC + c

        def zrow(i, carry):
            for j in range(H // 16):
                stage[i, pl.ds(16 * j, 16)] = jnp.zeros((16,), F32)
            return carry
        lax.fori_loop(0, RPT, zrow, 0)
        pltpu.sync_copy(stage, acc.at[pl.ds(s * RPT, RPT)])
        plsc.subcore_barrier()

        base_w = w * EW

        def blk(i, carry):
            base = base_w + i * B
            pltpu.sync_copy(src_hbm.at[pl.ds(base, B)], si)
            pltpu.sync_copy(dst_hbm.at[pl.ds(base, B)], di)
            pltpu.async_copy(g_hbm.at[si], rows, sem).wait()
            pltpu.sync_copy(rows, acc.at[di], add=True)
            return carry
        lax.fori_loop(0, nfull, blk, 0)

        if tail:
            sit, dit, rowst = tailrefs
            base = base_w + nfull * B
            pltpu.sync_copy(src_hbm.at[pl.ds(base, tail)], sit)
            pltpu.sync_copy(dst_hbm.at[pl.ds(base, tail)], dit)
            pltpu.async_copy(g_hbm.at[sit], rowst, sem).wait()
            pltpu.sync_copy(rowst, acc.at[dit], add=True)

        plsc.subcore_barrier()
        pltpu.sync_copy(acc.at[pl.ds(s * RPT, RPT)],
                        out_hbm.at[c, pl.ds(s * RPT, RPT)])

    return k(g, src, dst)


_BR = 2000


def _dot(a, b):
    return jnp.dot(a, b, preferred_element_type=F32, precision=_PREC)


def _pre_body(degp, x, w1, dinv_o, g1_o):
    d = degp[0, :, 0:1] + degp[1, :, 0:1] + 1.0
    dinv = lax.rsqrt(d)
    dinv_o[...] = dinv
    g1_o[...] = dinv * _dot(x[...], w1[...])


def _mid_body(sp, g, dinv, b, w, out_o):
    s = sp[0] + sp[1] + g[...]
    c = jnp.maximum(dinv[...] * s + b[...], 0.0)
    out_o[...] = dinv[...] * _dot(c, w[...])


def _gi0_body(sp, g, dinv, b, wih, bih, gi_o):
    s = sp[0] + sp[1] + g[...]
    c = jnp.maximum(dinv[...] * s + b[...], 0.0)
    gi_o[...] = _dot(c, wih[...]) + bih[...]


def _gi1_body(yf, yr, wa, wb, bih, gi_o):
    gi_o[...] = _dot(yf[...], wa[...]) + _dot(yr[...], wb[...]) + bih[...]


def _out_body(yf, yr, wa, wb, b, o):
    o[...] = _dot(yf[...], wa[...]) + _dot(yr[...], wb[...]) + b[...]


def _row_spec(shape):
    if len(shape) == 2:
        return pl.BlockSpec((_BR, shape[1]), lambda i: (i, 0))
    return pl.BlockSpec((shape[0], _BR, shape[2]), lambda i: (0, i, 0))


def _full_spec(shape):
    return pl.BlockSpec(shape, lambda i: (0,) * len(shape))


def _blocked_call(body, n, row_ins, full_ins, out_shapes):
    grid = (n // _BR,)
    in_specs = ([_row_spec(a.shape) for a in row_ins]
                + [_full_spec(a.shape) for a in full_ins])
    out_specs = [_row_spec(s.shape) for s in out_shapes]
    fn = pl.pallas_call(body, grid=grid, in_specs=in_specs,
                        out_specs=out_specs, out_shape=out_shapes)
    return fn(*row_ins, *full_ins)


def _gru_cell(gi, gg, hprev):
    r = jax.nn.sigmoid(gi[:, 0:64] + gg[:, 0:64])
    z = jax.nn.sigmoid(gi[:, 64:128] + gg[:, 64:128])
    nv = jnp.tanh(gi[:, 128:192] + r * gg[:, 128:192])
    return (1.0 - z) * nv + z * hprev


def _rec_body(gi_ref, whhf_ref, whhr_ref, bhhf_ref, bhhr_ref,
              yf_ref, yr_ref, *, n):
    def step(t, carry):
        hf, hr = carry
        ggf = _dot(hf, whhf_ref[...]) + bhhf_ref[...]
        ggr = _dot(hr, whhr_ref[...]) + bhhr_ref[...]
        gif = gi_ref[pl.ds(t, 1), 0:192]
        gir = gi_ref[pl.ds(n - 1 - t, 1), 192:384]
        hf = _gru_cell(gif, ggf, hf)
        hr = _gru_cell(gir, ggr, hr)
        yf_ref[pl.ds(t, 1), :] = hf
        yr_ref[pl.ds(n - 1 - t, 1), :] = hr
        return (hf, hr)

    h0 = jnp.zeros((1, 64), F32)
    lax.fori_loop(0, n, step, (h0, h0))


def _gru_layer(gi, whh_f, whh_r, bhh_f, bhh_r):
    n = gi.shape[0]
    out_shapes = [jax.ShapeDtypeStruct((n, 64), F32),
                  jax.ShapeDtypeStruct((n, 64), F32)]
    fn = pl.pallas_call(functools.partial(_rec_body, n=n),
                        out_shape=out_shapes)
    return fn(gi, whh_f.T, whh_r.T, bhh_f.reshape(1, -1),
              bhh_r.reshape(1, -1))


def kernel(x, edge_index, w1, b1, w2, b2,
           w_ih_l0, w_hh_l0, b_ih_l0, b_hh_l0,
           w_ih_l0_rev, w_hh_l0_rev, b_ih_l0_rev, b_hh_l0_rev,
           w_ih_l1, w_hh_l1, b_ih_l1, b_hh_l1,
           w_ih_l1_rev, w_hh_l1_rev, b_ih_l1_rev, b_hh_l1_rev,
           w_out, b_out):
    n = x.shape[0]
    gh = w_hh_l0.shape[1]
    src = edge_index[0]
    dst = edge_index[1]

    degp = _sc_edge_scatter(jnp.ones((n, 16), F32), src, dst)
    dinv, g1 = _blocked_call(
        _pre_body, n, [degp, x], [w1],
        [jax.ShapeDtypeStruct((n, 1), F32),
         jax.ShapeDtypeStruct((n, w1.shape[1]), F32)])

    s1p = _sc_edge_scatter(g1, src, dst)
    g2, = _blocked_call(
        _mid_body, n, [s1p, g1, dinv], [b1.reshape(1, -1), w2],
        [jax.ShapeDtypeStruct((n, w2.shape[1]), F32)])

    s2p = _sc_edge_scatter(g2, src, dst)
    wih0 = jnp.concatenate([w_ih_l0.T, w_ih_l0_rev.T], axis=1)
    bih0 = jnp.concatenate([b_ih_l0, b_ih_l0_rev]).reshape(1, -1)
    gi0, = _blocked_call(
        _gi0_body, n, [s2p, g2, dinv], [b2.reshape(1, -1), wih0, bih0],
        [jax.ShapeDtypeStruct((n, 6 * gh), F32)])

    yf0, yr0 = _gru_layer(gi0, w_hh_l0, w_hh_l0_rev, b_hh_l0, b_hh_l0_rev)

    wa1 = jnp.concatenate([w_ih_l1.T[0:gh], w_ih_l1_rev.T[0:gh]], axis=1)
    wb1 = jnp.concatenate([w_ih_l1.T[gh:2 * gh], w_ih_l1_rev.T[gh:2 * gh]],
                          axis=1)
    bih1 = jnp.concatenate([b_ih_l1, b_ih_l1_rev]).reshape(1, -1)
    gi1, = _blocked_call(
        _gi1_body, n, [yf0, yr0], [wa1, wb1, bih1],
        [jax.ShapeDtypeStruct((n, 6 * gh), F32)])

    yf1, yr1 = _gru_layer(gi1, w_hh_l1, w_hh_l1_rev, b_hh_l1, b_hh_l1_rev)

    out, = _blocked_call(
        _out_body, n, [yf1, yr1],
        [w_out[0:gh], w_out[gh:2 * gh], b_out.reshape(1, -1)],
        [jax.ShapeDtypeStruct((n, w_out.shape[1]), F32)])
    return out

# --- scband reference (transcript-rebuilt; emitter-appended) ---
"""Pipeline reference for scband-net-11914239279185 (READ-ONLY COPY).

The authoritative reference and input builder live on the scoring server;
editing this copy changes nothing except your own understanding.
"""

import jax, jax.numpy as jnp
import numpy as np

N = 10000
E = 320000
F_IN = 128
H1 = 16
H2 = 32
GH = 64
NUM_CLASSES = 40


def _p(k, shape, fan):
    return jax.random.normal(k, shape, dtype=jnp.float32) * (1.0 / np.sqrt(fan))


def setup_inputs(seed: int = 0):
    key = jax.random.key(seed)
    ks = jax.random.split(key, 32)
    inp = {}
    inp["x"] = jax.random.normal(ks[0], (N, F_IN), dtype=jnp.float32)
    inp["edge_index"] = jax.random.randint(ks[1], (2, E), 0, N, dtype=jnp.int32)
    inp["w1"] = _p(ks[2], (F_IN, H1), F_IN)
    inp["b1"] = jnp.zeros((H1,), dtype=jnp.float32)
    inp["w2"] = _p(ks[3], (H1, H2), H1)
    inp["b2"] = jnp.zeros((H2,), dtype=jnp.float32)
    i = 4
    for layer, insz in ((0, H2), (1, 2 * GH)):
        for sfx in ("", "_rev"):
            inp["w_ih_l%d%s" % (layer, sfx)] = _p(ks[i], (3 * GH, insz), insz); i += 1
            inp["w_hh_l%d%s" % (layer, sfx)] = _p(ks[i], (3 * GH, GH), GH); i += 1
            inp["b_ih_l%d%s" % (layer, sfx)] = _p(ks[i], (3 * GH,), GH); i += 1
            inp["b_hh_l%d%s" % (layer, sfx)] = _p(ks[i], (3 * GH,), GH); i += 1
    inp["w_out"] = _p(ks[i], (2 * GH, NUM_CLASSES), 2 * GH)
    inp["b_out"] = jnp.zeros((NUM_CLASSES,), dtype=jnp.float32)
    return inp


def gcn_conv(x, edge_index, w, b):
    n = x.shape[0]
    loop = jnp.arange(n, dtype=edge_index.dtype)
    src = jnp.concatenate([edge_index[0], loop])
    dst = jnp.concatenate([edge_index[1], loop])
    one = jnp.asarray(1.0, dtype=jnp.float32)
    deg = jnp.zeros((n,), dtype=jnp.float32).at[dst].add(one)
    dinv = jax.lax.rsqrt(jnp.maximum(deg, one))
    norm = (dinv[src] * dinv[dst]).astype(x.dtype)
    h = x @ w
    msg = (h[src] * norm[:, None]).astype(x.dtype)
    out = jnp.zeros((n, w.shape[1]), dtype=x.dtype).at[dst].add(msg)
    return out + b


def gru_direction(xs, w_ih, w_hh, b_ih, b_hh, reverse):
    gh = w_hh.shape[1]

    def step(h, xt):
        gi = xt @ w_ih.T + b_ih
        gg = h @ w_hh.T + b_hh
        i_r, i_z, i_n = jnp.split(gi, 3)
        h_r, h_z, h_n = jnp.split(gg, 3)
        r = jax.nn.sigmoid(i_r + h_r)
        z = jax.nn.sigmoid(i_z + h_z)
        nval = jnp.tanh(i_n + r * h_n)
        one = jnp.asarray(1.0, dtype=h.dtype)
        hn = ((one - z) * nval + z * h).astype(h.dtype)
        return hn, hn

    h0 = jnp.zeros((gh,), dtype=xs.dtype)
    _, ys = jax.lax.scan(step, h0, xs, reverse=reverse)
    return ys


def reference(x, edge_index, w1, b1, w2, b2,
              w_ih_l0, w_hh_l0, b_ih_l0, b_hh_l0,
              w_ih_l0_rev, w_hh_l0_rev, b_ih_l0_rev, b_hh_l0_rev,
              w_ih_l1, w_hh_l1, b_ih_l1, b_hh_l1,
              w_ih_l1_rev, w_hh_l1_rev, b_ih_l1_rev, b_hh_l1_rev,
              w_out, b_out):
    h = jax.nn.relu(gcn_conv(x, edge_index, w1, b1))
    # dropout is identity in eval mode
    h = jax.nn.relu(gcn_conv(h, edge_index, w2, b2))
    f0 = gru_direction(h, w_ih_l0, w_hh_l0, b_ih_l0, b_hh_l0, False)
    r0 = gru_direction(h, w_ih_l0_rev, w_hh_l0_rev, b_ih_l0_rev, b_hh_l0_rev, True)
    h = jnp.concatenate([f0, r0], axis=-1)
    f1 = gru_direction(h, w_ih_l1, w_hh_l1, b_ih_l1, b_hh_l1, False)
    r1 = gru_direction(h, w_ih_l1_rev, w_hh_l1_rev, b_ih_l1_rev, b_hh_l1_rev, True)
    h = jnp.concatenate([f1, r1], axis=-1)
    # squeeze(1) is a no-op on a [N, 128] tensor
    return h @ w_out + b_out

if __name__ == "__main__":
    import jax
    _d = setup_inputs()
    print(jax.jit(kernel)(*tuple(_d.values())))

</pallas_src>

<mosaic_0001>
#map = affine_map<(d0, d1) -> (0, 0)>
#map1 = affine_map<(d0, d1) -> (0)>
#map2 = affine_map<(d0, d1) -> (0, 0, 0)>
module attributes {stable_mosaic.version = 14 : i64} {
  func.func @k(%arg0: i32, %arg1: i32, %arg2: memref<10000x16xf32, #tpu.memory_space<hbm>>, %arg3: memref<320000xi32, #tpu.memory_space<hbm>>, %arg4: memref<320000xi32, #tpu.memory_space<hbm>>, %arg5: memref<2x10112x16xf32, #tpu.memory_space<hbm>>, %arg6: memref<128xi32, #tpu.memory_space<vmem>>, %arg7: memref<128xi32, #tpu.memory_space<vmem>>, %arg8: memref<128x16xf32, #tpu.memory_space<vmem>>, %arg9: memref<10112x16xf32, #tpu.memory_space<vmem_shared>>, %arg10: memref<632x16xf32, #tpu.memory_space<vmem>>, %arg11: memref<!tpu.dma_semaphore, #tpu.memory_space<semaphore_mem>>, %arg12: memref<16xi32, #tpu.memory_space<vmem>>, %arg13: memref<16xi32, #tpu.memory_space<vmem>>, %arg14: memref<16x16xf32, #tpu.memory_space<vmem>>) attributes {dimension_semantics = [#tpu.dimension_semantics<core_parallel>, #tpu.dimension_semantics<subcore_parallel>], iteration_bounds = array<i64: 2, 16>, scalar_prefetch = 0 : i64, scratch_operands = 9 : i64, tpu.core_type = #tpu.core_type<sc_vector_subcore>, window_params = [{transform_indices = #map}, {transform_indices = #map1}, {transform_indices = #map1}, {transform_indices = #map2}]} {
    %mul3A = arith.constant 2 : i32
    %mul3A_0 = arith.muli %arg1, %mul3A : i32
    %add3A = arith.addi %mul3A_0, %arg0 : i32
    %scan3A = arith.constant 0 : i32
    %scan3A_1 = arith.constant 0 : i32
    %scan3A_2 = arith.constant 632 : i32
    %scan3A_3 = arith.addi %scan3A_1, %scan3A_2 : i32
    %scan3A_4 = arith.constant 1 : i32
    scf.for %scan3A_27 = %scan3A_1 to %scan3A_3 step %scan3A_4  : i32 {
      %broadcast_in_dim3A = arith.constant 0.000000e+00 : f32
      %broadcast_in_dim3A_28 = vector.broadcast %broadcast_in_dim3A : f32 to vector<16xf32>
      %swap3A = arith.index_cast %scan3A_27 : i32 to index
      %swap3A_29 = arith.constant 0 : index
      %swap3A_30 = tpu.vector_load %arg10[%swap3A, %swap3A_29] {strides = array<i32>} : memref<632x16xf32, #tpu.memory_space<vmem>>, vector<1x16xf32>,
      %swap3A_31 = vector.shape_cast %swap3A_30 : vector<1x16xf32> to vector<16xf32>
      %swap3A_32 = vector.shape_cast %broadcast_in_dim3A_28 : vector<16xf32> to vector<1x16xf32>
      tpu.vector_store %arg10[%swap3A, %swap3A_29], %swap3A_32 {strides = array<i32>} : memref<632x16xf32, #tpu.memory_space<vmem>>, vector<1x16xf32>,
    }
    %scan3A_5 = arith.constant 632 : i32
    %mul3A_6 = arith.constant 632 : i32
    %mul3A_7 = arith.muli %arg1, %mul3A_6 : i32
    "tpu.region"() ({
      %run_scoped3A = tpu.sem_alloc : memref<!tpu.dma_semaphore, #tpu.memory_space<semaphore_mem>>
      %dma_start3A_27 = arith.constant 0 : i32
      %dma_start3A_28 = tpu.memref_slice %arg9[%mul3A_7, %dma_start3A_27] : memref<10112x16xf32, #tpu.memory_space<vmem_shared>> -> memref<632x16xf32, #tpu.memory_space<vmem_shared>>
      %dma_start3A_29 = arith.constant 0 : i32
      %dma_start3A_30 = tpu.memref_slice %arg9[%mul3A_7, %dma_start3A_29] : memref<10112x16xf32, #tpu.memory_space<vmem_shared>> -> memref<632x16xf32, #tpu.memory_space<vmem_shared>>
      tpu.enqueue_dma source(%arg10 : memref<632x16xf32, #tpu.memory_space<vmem>>) target(%dma_start3A_30 : memref<632x16xf32, #tpu.memory_space<vmem_shared>>) target_semaphore(%run_scoped3A : memref<!tpu.dma_semaphore, #tpu.memory_space<semaphore_mem>>)
      %dma_wait3A_31 = arith.constant 0 : i32
      %dma_wait3A_32 = tpu.memref_slice %arg9[%mul3A_7, %dma_wait3A_31] : memref<10112x16xf32, #tpu.memory_space<vmem_shared>> -> memref<632x16xf32, #tpu.memory_space<vmem_shared>>
      %dma_wait3A_33 = arith.constant 0 : i32
      %dma_wait3A_34 = tpu.memref_slice %arg9[%mul3A_7, %dma_wait3A_33] : memref<10112x16xf32, #tpu.memory_space<vmem_shared>> -> memref<632x16xf32, #tpu.memory_space<vmem_shared>>
      tpu.wait_dma2 semaphore(%run_scoped3A : memref<!tpu.dma_semaphore, #tpu.memory_space<semaphore_mem>>) src(%arg10 : memref<632x16xf32, #tpu.memory_space<vmem>>) dst(%dma_wait3A_34 : memref<632x16xf32, #tpu.memory_space<vmem_shared>>)
      tpu.yield
    }) : () -> ()
    %barrier3A = arith.constant 0 : index
    tpu.barrier barrier_id(%barrier3A)
    %mul3A_8 = arith.constant 10000 : i32
    %mul3A_9 = arith.muli %add3A, %mul3A_8 : i32
    %scan3A_10 = arith.constant 0 : i32
    %scan3A_11 = arith.constant 0 : i32
    %scan3A_12 = arith.constant 78 : i32
    %scan3A_13 = arith.addi %scan3A_11, %scan3A_12 : i32
    %scan3A_14 = arith.constant 1 : i32
    scf.for %scan3A_27 = %scan3A_11 to %scan3A_13 step %scan3A_14  : i32 {
      %mul3A_28 = arith.constant 128 : i32
      %mul3A_29 = arith.muli %scan3A_27, %mul3A_28 : i32
      %add3A_30 = arith.addi %mul3A_9, %mul3A_29 : i32
      "tpu.region"() ({
        %run_scoped3A = tpu.sem_alloc : memref<!tpu.dma_semaphore, #tpu.memory_space<semaphore_mem>>
        %dma_start3A_37 = tpu.memref_slice %arg3[%add3A_30] : memref<320000xi32, #tpu.memory_space<hbm>> -> memref<128xi32, #tpu.memory_space<hbm>>
        %dma_start3A_38 = tpu.memref_slice %arg3[%add3A_30] : memref<320000xi32, #tpu.memory_space<hbm>> -> memref<128xi32, #tpu.memory_space<hbm>>
        tpu.enqueue_dma source(%dma_start3A_38 : memref<128xi32, #tpu.memory_space<hbm>>) target(%arg6 : memref<128xi32, #tpu.memory_space<vmem>>) target_semaphore(%run_scoped3A : memref<!tpu.dma_semaphore, #tpu.memory_space<semaphore_mem>>)
        %dma_wait3A_39 = tpu.memref_slice %arg3[%add3A_30] : memref<320000xi32, #tpu.memory_space<hbm>> -> memref<128xi32, #tpu.memory_space<hbm>>
        %dma_wait3A_40 = tpu.memref_slice %arg3[%add3A_30] : memref<320000xi32, #tpu.memory_space<hbm>> -> memref<128xi32, #tpu.memory_space<hbm>>
        tpu.wait_dma2 semaphore(%run_scoped3A : memref<!tpu.dma_semaphore, #tpu.memory_space<semaphore_mem>>) src(%dma_wait3A_40 : memref<128xi32, #tpu.memory_space<hbm>>) dst(%arg6 : memref<128xi32, #tpu.memory_space<vmem>>)
        tpu.yield
      }) : () -> ()
      "tpu.region"() ({
        %run_scoped3A = tpu.sem_alloc : memref<!tpu.dma_semaphore, #tpu.memory_space<semaphore_mem>>
        %dma_start3A_37 = tpu.memref_slice %arg4[%add3A_30] : memref<320000xi32, #tpu.memory_space<hbm>> -> memref<128xi32, #tpu.memory_space<hbm>>
        %dma_start3A_38 = tpu.memref_slice %arg4[%add3A_30] : memref<320000xi32, #tpu.memory_space<hbm>> -> memref<128xi32, #tpu.memory_space<hbm>>
        tpu.enqueue_dma source(%dma_start3A_38 : memref<128xi32, #tpu.memory_space<hbm>>) target(%arg7 : memref<128xi32, #tpu.memory_space<vmem>>) target_semaphore(%run_scoped3A : memref<!tpu.dma_semaphore, #tpu.memory_space<semaphore_mem>>)
        %dma_wait3A_39 = tpu.memref_slice %arg4[%add3A_30] : memref<320000xi32, #tpu.memory_space<hbm>> -> memref<128xi32, #tpu.memory_space<hbm>>
        %dma_wait3A_40 = tpu.memref_slice %arg4[%add3A_30] : memref<320000xi32, #tpu.memory_space<hbm>> -> memref<128xi32, #tpu.memory_space<hbm>>
        tpu.wait_dma2 semaphore(%run_scoped3A : memref<!tpu.dma_semaphore, #tpu.memory_space<semaphore_mem>>) src(%dma_wait3A_40 : memref<128xi32, #tpu.memory_space<hbm>>) dst(%arg7 : memref<128xi32, #tpu.memory_space<vmem>>)
        tpu.yield
      }) : () -> ()
      %dma_start3A_31 = arith.constant 0 : i32
      %dma_start3A_32 = arith.constant 0 : i32
      %dma_start3A_33 = tpu.memref_slice %arg2[%dma_start3A_31, %dma_start3A_32] : memref<10000x16xf32, #tpu.memory_space<hbm>> -> memref<10000x16xf32, #tpu.memory_space<hbm>>
      tpu.enqueue_indirect_dma source(%dma_start3A_33 : memref<10000x16xf32, #tpu.memory_space<hbm>>) target(%arg8 : memref<128x16xf32, #tpu.memory_space<vmem>>) offsets(%arg6 : memref<128xi32, #tpu.memory_space<vmem>>) semaphore(%arg11 : memref<!tpu.dma_semaphore, #tpu.memory_space<semaphore_mem>>)
      %dma_wait3A_34 = arith.constant 0 : i32
      %dma_wait3A_35 = arith.constant 0 : i32
      %dma_wait3A_36 = tpu.memref_slice %arg2[%dma_wait3A_34, %dma_wait3A_35] : memref<10000x16xf32, #tpu.memory_space<hbm>> -> memref<10000x16xf32, #tpu.memory_space<hbm>>
      tpu.wait_indirect_dma semaphore(%arg11 : memref<!tpu.dma_semaphore, #tpu.memory_space<semaphore_mem>>) src(%dma_wait3A_36 : memref<10000x16xf32, #tpu.memory_space<hbm>>) dst(%arg8 : memref<128x16xf32, #tpu.memory_space<vmem>>)
      "tpu.region"() ({
        %run_scoped3A = tpu.sem_alloc : memref<!tpu.dma_semaphore, #tpu.memory_space<semaphore_mem>>
        %dma_start3A_37 = arith.constant 0 : i32
        %dma_start3A_38 = arith.constant 0 : i32
        %dma_start3A_39 = tpu.memref_slice %arg9[%dma_start3A_37, %dma_start3A_38] : memref<10112x16xf32, #tpu.memory_space<vmem_shared>> -> memref<10112x16xf32, #tpu.memory_space<vmem_shared>>
        tpu.enqueue_indirect_dma source(%arg8 : memref<128x16xf32, #tpu.memory_space<vmem>>) target(%dma_start3A_39 : memref<10112x16xf32, #tpu.memory_space<vmem_shared>>) offsets(%arg7 : memref<128xi32, #tpu.memory_space<vmem>>) semaphore(%run_scoped3A : memref<!tpu.dma_semaphore, #tpu.memory_space<semaphore_mem>>) {add = true}
        %dma_wait3A_40 = arith.constant 0 : i32
        %dma_wait3A_41 = arith.constant 0 : i32
        %dma_wait3A_42 = tpu.memref_slice %arg9[%dma_wait3A_40, %dma_wait3A_41] : memref<10112x16xf32, #tpu.memory_space<vmem_shared>> -> memref<10112x16xf32, #tpu.memory_space<vmem_shared>>
        tpu.wait_indirect_dma semaphore(%run_scoped3A : memref<!tpu.dma_semaphore, #tpu.memory_space<semaphore_mem>>) src(%arg8 : memref<128x16xf32, #tpu.memory_space<vmem>>) dst(%dma_wait3A_42 : memref<10112x16xf32, #tpu.memory_space<vmem_shared>>)
        tpu.yield
      }) : () -> ()
    }
    %scan3A_15 = arith.constant 78 : i32
    %add3A_16 = arith.constant 9984 : i32
    %add3A_17 = arith.addi %mul3A_9, %add3A_16 : i32
    "tpu.region"() ({
      %run_scoped3A = tpu.sem_alloc : memref<!tpu.dma_semaphore, #tpu.memory_space<semaphore_mem>>
      %dma_start3A_27 = tpu.memref_slice %arg3[%add3A_17] : memref<320000xi32, #tpu.memory_space<hbm>> -> memref<16xi32, #tpu.memory_space<hbm>>
      %dma_start3A_28 = tpu.memref_slice %arg3[%add3A_17] : memref<320000xi32, #tpu.memory_space<hbm>> -> memref<16xi32, #tpu.memory_space<hbm>>
      tpu.enqueue_dma source(%dma_start3A_28 : memref<16xi32, #tpu.memory_space<hbm>>) target(%arg12 : memref<16xi32, #tpu.memory_space<vmem>>) target_semaphore(%run_scoped3A : memref<!tpu.dma_semaphore, #tpu.memory_space<semaphore_mem>>)
      %dma_wait3A_29 = tpu.memref_slice %arg3[%add3A_17] : memref<320000xi32, #tpu.memory_space<hbm>> -> memref<16xi32, #tpu.memory_space<hbm>>
      %dma_wait3A_30 = tpu.memref_slice %arg3[%add3A_17] : memref<320000xi32, #tpu.memory_space<hbm>> -> memref<16xi32, #tpu.memory_space<hbm>>
      tpu.wait_dma2 semaphore(%run_scoped3A : memref<!tpu.dma_semaphore, #tpu.memory_space<semaphore_mem>>) src(%dma_wait3A_30 : memref<16xi32, #tpu.memory_space<hbm>>) dst(%arg12 : memref<16xi32, #tpu.memory_space<vmem>>)
      tpu.yield
    }) : () -> ()
    "tpu.region"() ({
      %run_scoped3A = tpu.sem_alloc : memref<!tpu.dma_semaphore, #tpu.memory_space<semaphore_mem>>
      %dma_start3A_27 = tpu.memref_slice %arg4[%add3A_17] : memref<320000xi32, #tpu.memory_space<hbm>> -> memref<16xi32, #tpu.memory_space<hbm>>
      %dma_start3A_28 = tpu.memref_slice %arg4[%add3A_17] : memref<320000xi32, #tpu.memory_space<hbm>> -> memref<16xi32, #tpu.memory_space<hbm>>
      tpu.enqueue_dma source(%dma_start3A_28 : memref<16xi32, #tpu.memory_space<hbm>>) target(%arg13 : memref<16xi32, #tpu.memory_space<vmem>>) target_semaphore(%run_scoped3A : memref<!tpu.dma_semaphore, #tpu.memory_space<semaphore_mem>>)
      %dma_wait3A_29 = tpu.memref_slice %arg4[%add3A_17] : memref<320000xi32, #tpu.memory_space<hbm>> -> memref<16xi32, #tpu.memory_space<hbm>>
      %dma_wait3A_30 = tpu.memref_slice %arg4[%add3A_17] : memref<320000xi32, #tpu.memory_space<hbm>> -> memref<16xi32, #tpu.memory_space<hbm>>
      tpu.wait_dma2 semaphore(%run_scoped3A : memref<!tpu.dma_semaphore, #tpu.memory_space<semaphore_mem>>) src(%dma_wait3A_30 : memref<16xi32, #tpu.memory_space<hbm>>) dst(%arg13 : memref<16xi32, #tpu.memory_space<vmem>>)
      tpu.yield
    }) : () -> ()
    %dma_start3A = arith.constant 0 : i32
    %dma_start3A_18 = arith.constant 0 : i32
    %dma_start3A_19 = tpu.memref_slice %arg2[%dma_start3A, %dma_start3A_18] : memref<10000x16xf32, #tpu.memory_space<hbm>> -> memref<10000x16xf32, #tpu.memory_space<hbm>>
    tpu.enqueue_indirect_dma source(%dma_start3A_19 : memref<10000x16xf32, #tpu.memory_space<hbm>>) target(%arg14 : memref<16x16xf32, #tpu.memory_space<vmem>>) offsets(%arg12 : memref<16xi32, #tpu.memory_space<vmem>>) semaphore(%arg11 : memref<!tpu.dma_semaphore, #tpu.memory_space<semaphore_mem>>)
    %dma_wait3A = arith.constant 0 : i32
    %dma_wait3A_20 = arith.constant 0 : i32
    %dma_wait3A_21 = tpu.memref_slice %arg2[%dma_wait3A, %dma_wait3A_20] : memref<10000x16xf32, #tpu.memory_space<hbm>> -> memref<10000x16xf32, #tpu.memory_space<hbm>>
    tpu.wait_indirect_dma semaphore(%arg11 : memref<!tpu.dma_semaphore, #tpu.memory_space<semaphore_mem>>) src(%dma_wait3A_21 : memref<10000x16xf32, #tpu.memory_space<hbm>>) dst(%arg14 : memref<16x16xf32, #tpu.memory_space<vmem>>)
    "tpu.region"() ({
      %run_scoped3A = tpu.sem_alloc : memref<!tpu.dma_semaphore, #tpu.memory_space<semaphore_mem>>
      %dma_start3A_27 = arith.constant 0 : i32
      %dma_start3A_28 = arith.constant 0 : i32
      %dma_start3A_29 = tpu.memref_slice %arg9[%dma_start3A_27, %dma_start3A_28] : memref<10112x16xf32, #tpu.memory_space<vmem_shared>> -> memref<10112x16xf32, #tpu.memory_space<vmem_shared>>
      tpu.enqueue_indirect_dma source(%arg14 : memref<16x16xf32, #tpu.memory_space<vmem>>) target(%dma_start3A_29 : memref<10112x16xf32, #tpu.memory_space<vmem_shared>>) offsets(%arg13 : memref<16xi32, #tpu.memory_space<vmem>>) semaphore(%run_scoped3A : memref<!tpu.dma_semaphore, #tpu.memory_space<semaphore_mem>>) {add = true}
      %dma_wait3A_30 = arith.constant 0 : i32
      %dma_wait3A_31 = arith.constant 0 : i32
      %dma_wait3A_32 = tpu.memref_slice %arg9[%dma_wait3A_30, %dma_wait3A_31] : memref<10112x16xf32, #tpu.memory_space<vmem_shared>> -> memref<10112x16xf32, #tpu.memory_space<vmem_shared>>
      tpu.wait_indirect_dma semaphore(%run_scoped3A : memref<!tpu.dma_semaphore, #tpu.memory_space<semaphore_mem>>) src(%arg14 : memref<16x16xf32, #tpu.memory_space<vmem>>) dst(%dma_wait3A_32 : memref<10112x16xf32, #tpu.memory_space<vmem_shared>>)
      tpu.yield
    }) : () -> ()
    %barrier3A_22 = arith.constant 0 : index
    tpu.barrier barrier_id(%barrier3A_22)
    %mul3A_23 = arith.constant 632 : i32
    %mul3A_24 = arith.muli %arg1, %mul3A_23 : i32
    %mul3A_25 = arith.constant 632 : i32
    %mul3A_26 = arith.muli %arg1, %mul3A_25 : i32
    "tpu.region"() ({
      %run_scoped3A = tpu.sem_alloc : memref<!tpu.dma_semaphore, #tpu.memory_space<semaphore_mem>>
      %dma_start3A_27 = arith.constant 0 : i32
      %dma_start3A_28 = tpu.memref_slice %arg5[%arg0, %mul3A_26, %dma_start3A_27] : memref<2x10112x16xf32, #tpu.memory_space<hbm>> -> memref<1x632x16xf32, #tpu.memory_space<hbm>>
      %dma_start3A_29 = tpu.memref_squeeze %dma_start3A_28 : memref<1x632x16xf32, #tpu.memory_space<hbm>> -> memref<632x16xf32, #tpu.memory_space<hbm>>
      %dma_start3A_30 = arith.constant 0 : i32
      %dma_start3A_31 = tpu.memref_slice %arg9[%mul3A_24, %dma_start3A_30] : memref<10112x16xf32, #tpu.memory_space<vmem_shared>> -> memref<632x16xf32, #tpu.memory_space<vmem_shared>>
      tpu.enqueue_dma source(%dma_start3A_31 : memref<632x16xf32, #tpu.memory_space<vmem_shared>>) target(%dma_start3A_29 : memref<632x16xf32, #tpu.memory_space<hbm>>) target_semaphore(%run_scoped3A : memref<!tpu.dma_semaphore, #tpu.memory_space<semaphore_mem>>)
      %dma_wait3A_32 = arith.constant 0 : i32
      %dma_wait3A_33 = tpu.memref_slice %arg5[%arg0, %mul3A_26, %dma_wait3A_32] : memref<2x10112x16xf32, #tpu.memory_space<hbm>> -> memref<1x632x16xf32, #tpu.memory_space<hbm>>
      %dma_wait3A_34 = tpu.memref_squeeze %dma_wait3A_33 : memref<1x632x16xf32, #tpu.memory_space<hbm>> -> memref<632x16xf32, #tpu.memory_space<hbm>>
      %dma_wait3A_35 = arith.constant 0 : i32
      %dma_wait3A_36 = tpu.memref_slice %arg9[%mul3A_24, %dma_wait3A_35] : memref<10112x16xf32, #tpu.memory_space<vmem_shared>> -> memref<632x16xf32, #tpu.memory_space<vmem_shared>>
      tpu.wait_dma2 semaphore(%run_scoped3A : memref<!tpu.dma_semaphore, #tpu.memory_space<semaphore_mem>>) src(%dma_wait3A_36 : memref<632x16xf32, #tpu.memory_space<vmem_shared>>) dst(%dma_wait3A_34 : memref<632x16xf32, #tpu.memory_space<hbm>>)
      tpu.yield
    }) : () -> ()
    return
  }
}

#map = affine_map<(d0, d1) -> (0, 0)>
#map1 = affine_map<(d0, d1) -> (0)>
#map2 = affine_map<(d0, d1) -> (0, 0, 0)>
module attributes {stable_mosaic.version = 14 : i64} {
  func.func @k(%arg0: i32, %arg1: i32, %arg2: memref<10000x32xf32, #tpu.memory_space<hbm>>, %arg3: memref<320000xi32, #tpu.memory_space<hbm>>, %arg4: memref<320000xi32, #tpu.memory_space<hbm>>, %arg5: memref<2x10112x32xf32, #tpu.memory_space<hbm>>, %arg6: memref<128xi32, #tpu.memory_space<vmem>>, %arg7: memref<128xi32, #tpu.memory_space<vmem>>, %arg8: memref<128x32xf32, #tpu.memory_space<vmem>>, %arg9: memref<10112x32xf32, #tpu.memory_space<vmem_shared>>, %arg10: memref<632x32xf32, #tpu.memory_space<vmem>>, %arg11: memref<!tpu.dma_semaphore, #tpu.memory_space<semaphore_mem>>, %arg12: memref<16xi32, #tpu.memory_space<vmem>>, %arg13: memref<16xi32, #tpu.memory_space<vmem>>, %arg14: memref<16x32xf32, #tpu.memory_space<vmem>>) attributes {dimension_semantics = [#tpu.dimension_semantics<core_parallel>, #tpu.dimension_semantics<subcore_parallel>], iteration_bounds = array<i64: 2, 16>, scalar_prefetch = 0 : i64, scratch_operands = 9 : i64, tpu.core_type = #tpu.core_type<sc_vector_subcore>, window_params = [{transform_indices = #map}, {transform_indices = #map1}, {transform_indices = #map1}, {transform_indices = #map2}]} {
    %mul3A = arith.constant 2 : i32
    %mul3A_0 = arith.muli %arg1, %mul3A : i32
    %add3A = arith.addi %mul3A_0, %arg0 : i32
    %scan3A = arith.constant 0 : i32
    %scan3A_1 = arith.constant 0 : i32
    %scan3A_2 = arith.constant 632 : i32
    %scan3A_3 = arith.addi %scan3A_1, %scan3A_2 : i32
    %scan3A_4 = arith.constant 1 : i32
    scf.for %scan3A_27 = %scan3A_1 to %scan3A_3 step %scan3A_4  : i32 {
      %broadcast_in_dim3A = arith.constant 0.000000e+00 : f32
      %broadcast_in_dim3A_28 = vector.broadcast %broadcast_in_dim3A : f32 to vector<16xf32>
      %swap3A = arith.index_cast %scan3A_27 : i32 to index
      %swap3A_29 = arith.constant 0 : index
      %swap3A_30 = tpu.vector_load %arg10[%swap3A, %swap3A_29] {strides = array<i32>} : memref<632x32xf32, #tpu.memory_space<vmem>>, vector<1x16xf32>,
      %swap3A_31 = vector.shape_cast %swap3A_30 : vector<1x16xf32> to vector<16xf32>
      %swap3A_32 = vector.shape_cast %broadcast_in_dim3A_28 : vector<16xf32> to vector<1x16xf32>
      tpu.vector_store %arg10[%swap3A, %swap3A_29], %swap3A_32 {strides = array<i32>} : memref<632x32xf32, #tpu.memory_space<vmem>>, vector<1x16xf32>,
      %broadcast_in_dim3A_33 = arith.constant 0.000000e+00 : f32
      %broadcast_in_dim3A_34 = vector.broadcast %broadcast_in_dim3A_33 : f32 to vector<16xf32>
      %swap3A_35 = arith.index_cast %scan3A_27 : i32 to index
      %swap3A_36 = arith.constant 16 : index
      %swap3A_37 = tpu.vector_load %arg10[%swap3A_35, %swap3A_36] {strides = array<i32>} : memref<632x32xf32, #tpu.memory_space<vmem>>, vector<1x16xf32>,
      %swap3A_38 = vector.shape_cast %swap3A_37 : vector<1x16xf32> to vector<16xf32>
      %swap3A_39 = vector.shape_cast %broadcast_in_dim3A_34 : vector<16xf32> to vector<1x16xf32>
      tpu.vector_store %arg10[%swap3A_35, %swap3A_36], %swap3A_39 {strides = array<i32>} : memref<632x32xf32, #tpu.memory_space<vmem>>, vector<1x16xf32>,
    }
    %scan3A_5 = arith.constant 632 : i32
    %mul3A_6 = arith.constant 632 : i32
    %mul3A_7 = arith.muli %arg1, %mul3A_6 : i32
    "tpu.region"() ({
      %run_scoped3A = tpu.sem_alloc : memref<!tpu.dma_semaphore, #tpu.memory_space<semaphore_mem>>
      %dma_start3A_27 = arith.constant 0 : i32
      %dma_start3A_28 = tpu.memref_slice %arg9[%mul3A_7, %dma_start3A_27] : memref<10112x32xf32, #tpu.memory_space<vmem_shared>> -> memref<632x32xf32, #tpu.memory_space<vmem_shared>>
      %dma_start3A_29 = arith.constant 0 : i32
      %dma_start3A_30 = tpu.memref_slice %arg9[%mul3A_7, %dma_start3A_29] : memref<10112x32xf32, #tpu.memory_space<vmem_shared>> -> memref<632x32xf32, #tpu.memory_space<vmem_shared>>
      tpu.enqueue_dma source(%arg10 : memref<632x32xf32, #tpu.memory_space<vmem>>) target(%dma_start3A_30 : memref<632x32xf32, #tpu.memory_space<vmem_shared>>) target_semaphore(%run_scoped3A : memref<!tpu.dma_semaphore, #tpu.memory_space<semaphore_mem>>)
      %dma_wait3A_31 = arith.constant 0 : i32
      %dma_wait3A_32 = tpu.memref_slice %arg9[%mul3A_7, %dma_wait3A_31] : memref<10112x32xf32, #tpu.memory_space<vmem_shared>> -> memref<632x32xf32, #tpu.memory_space<vmem_shared>>
      %dma_wait3A_33 = arith.constant 0 : i32
      %dma_wait3A_34 = tpu.memref_slice %arg9[%mul3A_7, %dma_wait3A_33] : memref<10112x32xf32, #tpu.memory_space<vmem_shared>> -> memref<632x32xf32, #tpu.memory_space<vmem_shared>>
      tpu.wait_dma2 semaphore(%run_scoped3A : memref<!tpu.dma_semaphore, #tpu.memory_space<semaphore_mem>>) src(%arg10 : memref<632x32xf32, #tpu.memory_space<vmem>>) dst(%dma_wait3A_34 : memref<632x32xf32, #tpu.memory_space<vmem_shared>>)
      tpu.yield
    }) : () -> ()
    %barrier3A = arith.constant 0 : index
    tpu.barrier barrier_id(%barrier3A)
    %mul3A_8 = arith.constant 10000 : i32
    %mul3A_9 = arith.muli %add3A, %mul3A_8 : i32
    %scan3A_10 = arith.constant 0 : i32
    %scan3A_11 = arith.constant 0 : i32
    %scan3A_12 = arith.constant 78 : i32
    %scan3A_13 = arith.addi %scan3A_11, %scan3A_12 : i32
    %scan3A_14 = arith.constant 1 : i32
    scf.for %scan3A_27 = %scan3A_11 to %scan3A_13 step %scan3A_14  : i32 {
      %mul3A_28 = arith.constant 128 : i32
      %mul3A_29 = arith.muli %scan3A_27, %mul3A_28 : i32
      %add3A_30 = arith.addi %mul3A_9, %mul3A_29 : i32
      "tpu.region"() ({
        %run_scoped3A = tpu.sem_alloc : memref<!tpu.dma_semaphore, #tpu.memory_space<semaphore_mem>>
        %dma_start3A_37 = tpu.memref_slice %arg3[%add3A_30] : memref<320000xi32, #tpu.memory_space<hbm>> -> memref<128xi32, #tpu.memory_space<hbm>>
        %dma_start3A_38 = tpu.memref_slice %arg3[%add3A_30] : memref<320000xi32, #tpu.memory_space<hbm>> -> memref<128xi32, #tpu.memory_space<hbm>>
        tpu.enqueue_dma source(%dma_start3A_38 : memref<128xi32, #tpu.memory_space<hbm>>) target(%arg6 : memref<128xi32, #tpu.memory_space<vmem>>) target_semaphore(%run_scoped3A : memref<!tpu.dma_semaphore, #tpu.memory_space<semaphore_mem>>)
        %dma_wait3A_39 = tpu.memref_slice %arg3[%add3A_30] : memref<320000xi32, #tpu.memory_space<hbm>> -> memref<128xi32, #tpu.memory_space<hbm>>
        %dma_wait3A_40 = tpu.memref_slice %arg3[%add3A_30] : memref<320000xi32, #tpu.memory_space<hbm>> -> memref<128xi32, #tpu.memory_space<hbm>>
        tpu.wait_dma2 semaphore(%run_scoped3A : memref<!tpu.dma_semaphore, #tpu.memory_space<semaphore_mem>>) src(%dma_wait3A_40 : memref<128xi32, #tpu.memory_space<hbm>>) dst(%arg6 : memref<128xi32, #tpu.memory_space<vmem>>)
        tpu.yield
      }) : () -> ()
      "tpu.region"() ({
        %run_scoped3A = tpu.sem_alloc : memref<!tpu.dma_semaphore, #tpu.memory_space<semaphore_mem>>
        %dma_start3A_37 = tpu.memref_slice %arg4[%add3A_30] : memref<320000xi32, #tpu.memory_space<hbm>> -> memref<128xi32, #tpu.memory_space<hbm>>
        %dma_start3A_38 = tpu.memref_slice %arg4[%add3A_30] : memref<320000xi32, #tpu.memory_space<hbm>> -> memref<128xi32, #tpu.memory_space<hbm>>
        tpu.enqueue_dma source(%dma_start3A_38 : memref<128xi32, #tpu.memory_space<hbm>>) target(%arg7 : memref<128xi32, #tpu.memory_space<vmem>>) target_semaphore(%run_scoped3A : memref<!tpu.dma_semaphore, #tpu.memory_space<semaphore_mem>>)
        %dma_wait3A_39 = tpu.memref_slice %arg4[%add3A_30] : memref<320000xi32, #tpu.memory_space<hbm>> -> memref<128xi32, #tpu.memory_space<hbm>>
        %dma_wait3A_40 = tpu.memref_slice %arg4[%add3A_30] : memref<320000xi32, #tpu.memory_space<hbm>> -> memref<128xi32, #tpu.memory_space<hbm>>
        tpu.wait_dma2 semaphore(%run_scoped3A : memref<!tpu.dma_semaphore, #tpu.memory_space<semaphore_mem>>) src(%dma_wait3A_40 : memref<128xi32, #tpu.memory_space<hbm>>) dst(%arg7 : memref<128xi32, #tpu.memory_space<vmem>>)
        tpu.yield
      }) : () -> ()
      %dma_start3A_31 = arith.constant 0 : i32
      %dma_start3A_32 = arith.constant 0 : i32
      %dma_start3A_33 = tpu.memref_slice %arg2[%dma_start3A_31, %dma_start3A_32] : memref<10000x32xf32, #tpu.memory_space<hbm>> -> memref<10000x32xf32, #tpu.memory_space<hbm>>
      tpu.enqueue_indirect_dma source(%dma_start3A_33 : memref<10000x32xf32, #tpu.memory_space<hbm>>) target(%arg8 : memref<128x32xf32, #tpu.memory_space<vmem>>) offsets(%arg6 : memref<128xi32, #tpu.memory_space<vmem>>) semaphore(%arg11 : memref<!tpu.dma_semaphore, #tpu.memory_space<semaphore_mem>>)
      %dma_wait3A_34 = arith.constant 0 : i32
      %dma_wait3A_35 = arith.constant 0 : i32
      %dma_wait3A_36 = tpu.memref_slice %arg2[%dma_wait3A_34, %dma_wait3A_35] : memref<10000x32xf32, #tpu.memory_space<hbm>> -> memref<10000x32xf32, #tpu.memory_space<hbm>>
      tpu.wait_indirect_dma semaphore(%arg11 : memref<!tpu.dma_semaphore, #tpu.memory_space<semaphore_mem>>) src(%dma_wait3A_36 : memref<10000x32xf32, #tpu.memory_space<hbm>>) dst(%arg8 : memref<128x32xf32, #tpu.memory_space<vmem>>)
      "tpu.region"() ({
        %run_scoped3A = tpu.sem_alloc : memref<!tpu.dma_semaphore, #tpu.memory_space<semaphore_mem>>
        %dma_start3A_37 = arith.constant 0 : i32
        %dma_start3A_38 = arith.constant 0 : i32
        %dma_start3A_39 = tpu.memref_slice %arg9[%dma_start3A_37, %dma_start3A_38] : memref<10112x32xf32, #tpu.memory_space<vmem_shared>> -> memref<10112x32xf32, #tpu.memory_space<vmem_shared>>
        tpu.enqueue_indirect_dma source(%arg8 : memref<128x32xf32, #tpu.memory_space<vmem>>) target(%dma_start3A_39 : memref<10112x32xf32, #tpu.memory_space<vmem_shared>>) offsets(%arg7 : memref<128xi32, #tpu.memory_space<vmem>>) semaphore(%run_scoped3A : memref<!tpu.dma_semaphore, #tpu.memory_space<semaphore_mem>>) {add = true}
        %dma_wait3A_40 = arith.constant 0 : i32
        %dma_wait3A_41 = arith.constant 0 : i32
        %dma_wait3A_42 = tpu.memref_slice %arg9[%dma_wait3A_40, %dma_wait3A_41] : memref<10112x32xf32, #tpu.memory_space<vmem_shared>> -> memref<10112x32xf32, #tpu.memory_space<vmem_shared>>
        tpu.wait_indirect_dma semaphore(%run_scoped3A : memref<!tpu.dma_semaphore, #tpu.memory_space<semaphore_mem>>) src(%arg8 : memref<128x32xf32, #tpu.memory_space<vmem>>) dst(%dma_wait3A_42 : memref<10112x32xf32, #tpu.memory_space<vmem_shared>>)
        tpu.yield
      }) : () -> ()
    }
    %scan3A_15 = arith.constant 78 : i32
    %add3A_16 = arith.constant 9984 : i32
    %add3A_17 = arith.addi %mul3A_9, %add3A_16 : i32
    "tpu.region"() ({
      %run_scoped3A = tpu.sem_alloc : memref<!tpu.dma_semaphore, #tpu.memory_space<semaphore_mem>>
      %dma_start3A_27 = tpu.memref_slice %arg3[%add3A_17] : memref<320000xi32, #tpu.memory_space<hbm>> -> memref<16xi32, #tpu.memory_space<hbm>>
      %dma_start3A_28 = tpu.memref_slice %arg3[%add3A_17] : memref<320000xi32, #tpu.memory_space<hbm>> -> memref<16xi32, #tpu.memory_space<hbm>>
      tpu.enqueue_dma source(%dma_start3A_28 : memref<16xi32, #tpu.memory_space<hbm>>) target(%arg12 : memref<16xi32, #tpu.memory_space<vmem>>) target_semaphore(%run_scoped3A : memref<!tpu.dma_semaphore, #tpu.memory_space<semaphore_mem>>)
      %dma_wait3A_29 = tpu.memref_slice %arg3[%add3A_17] : memref<320000xi32, #tpu.memory_space<hbm>> -> memref<16xi32, #tpu.memory_space<hbm>>
      %dma_wait3A_30 = tpu.memref_slice %arg3[%add3A_17] : memref<320000xi32, #tpu.memory_space<hbm>> -> memref<16xi32, #tpu.memory_space<hbm>>
      tpu.wait_dma2 semaphore(%run_scoped3A : memref<!tpu.dma_semaphore, #tpu.memory_space<semaphore_mem>>) src(%dma_wait3A_30 : memref<16xi32, #tpu.memory_space<hbm>>) dst(%arg12 : memref<16xi32, #tpu.memory_space<vmem>>)
      tpu.yield
    }) : () -> ()
    "tpu.region"() ({
      %run_scoped3A = tpu.sem_alloc : memref<!tpu.dma_semaphore, #tpu.memory_space<semaphore_mem>>
      %dma_start3A_27 = tpu.memref_slice %arg4[%add3A_17] : memref<320000xi32, #tpu.memory_space<hbm>> -> memref<16xi32, #tpu.memory_space<hbm>>
      %dma_start3A_28 = tpu.memref_slice %arg4[%add3A_17] : memref<320000xi32, #tpu.memory_space<hbm>> -> memref<16xi32, #tpu.memory_space<hbm>>
      tpu.enqueue_dma source(%dma_start3A_28 : memref<16xi32, #tpu.memory_space<hbm>>) target(%arg13 : memref<16xi32, #tpu.memory_space<vmem>>) target_semaphore(%run_scoped3A : memref<!tpu.dma_semaphore, #tpu.memory_space<semaphore_mem>>)
      %dma_wait3A_29 = tpu.memref_slice %arg4[%add3A_17] : memref<320000xi32, #tpu.memory_space<hbm>> -> memref<16xi32, #tpu.memory_space<hbm>>
      %dma_wait3A_30 = tpu.memref_slice %arg4[%add3A_17] : memref<320000xi32, #tpu.memory_space<hbm>> -> memref<16xi32, #tpu.memory_space<hbm>>
      tpu.wait_dma2 semaphore(%run_scoped3A : memref<!tpu.dma_semaphore, #tpu.memory_space<semaphore_mem>>) src(%dma_wait3A_30 : memref<16xi32, #tpu.memory_space<hbm>>) dst(%arg13 : memref<16xi32, #tpu.memory_space<vmem>>)
      tpu.yield
    }) : () -> ()
    %dma_start3A = arith.constant 0 : i32
    %dma_start3A_18 = arith.constant 0 : i32
    %dma_start3A_19 = tpu.memref_slice %arg2[%dma_start3A, %dma_start3A_18] : memref<10000x32xf32, #tpu.memory_space<hbm>> -> memref<10000x32xf32, #tpu.memory_space<hbm>>
    tpu.enqueue_indirect_dma source(%dma_start3A_19 : memref<10000x32xf32, #tpu.memory_space<hbm>>) target(%arg14 : memref<16x32xf32, #tpu.memory_space<vmem>>) offsets(%arg12 : memref<16xi32, #tpu.memory_space<vmem>>) semaphore(%arg11 : memref<!tpu.dma_semaphore, #tpu.memory_space<semaphore_mem>>)
    %dma_wait3A = arith.constant 0 : i32
    %dma_wait3A_20 = arith.constant 0 : i32
    %dma_wait3A_21 = tpu.memref_slice %arg2[%dma_wait3A, %dma_wait3A_20] : memref<10000x32xf32, #tpu.memory_space<hbm>> -> memref<10000x32xf32, #tpu.memory_space<hbm>>
    tpu.wait_indirect_dma semaphore(%arg11 : memref<!tpu.dma_semaphore, #tpu.memory_space<semaphore_mem>>) src(%dma_wait3A_21 : memref<10000x32xf32, #tpu.memory_space<hbm>>) dst(%arg14 : memref<16x32xf32, #tpu.memory_space<vmem>>)
    "tpu.region"() ({
      %run_scoped3A = tpu.sem_alloc : memref<!tpu.dma_semaphore, #tpu.memory_space<semaphore_mem>>
      %dma_start3A_27 = arith.constant 0 : i32
      %dma_start3A_28 = arith.constant 0 : i32
      %dma_start3A_29 = tpu.memref_slice %arg9[%dma_start3A_27, %dma_start3A_28] : memref<10112x32xf32, #tpu.memory_space<vmem_shared>> -> memref<10112x32xf32, #tpu.memory_space<vmem_shared>>
      tpu.enqueue_indirect_dma source(%arg14 : memref<16x32xf32, #tpu.memory_space<vmem>>) target(%dma_start3A_29 : memref<10112x32xf32, #tpu.memory_space<vmem_shared>>) offsets(%arg13 : memref<16xi32, #tpu.memory_space<vmem>>) semaphore(%run_scoped3A : memref<!tpu.dma_semaphore, #tpu.memory_space<semaphore_mem>>) {add = true}
      %dma_wait3A_30 = arith.constant 0 : i32
      %dma_wait3A_31 = arith.constant 0 : i32
      %dma_wait3A_32 = tpu.memref_slice %arg9[%dma_wait3A_30, %dma_wait3A_31] : memref<10112x32xf32, #tpu.memory_space<vmem_shared>> -> memref<10112x32xf32, #tpu.memory_space<vmem_shared>>
      tpu.wait_indirect_dma semaphore(%run_scoped3A : memref<!tpu.dma_semaphore, #tpu.memory_space<semaphore_mem>>) src(%arg14 : memref<16x32xf32, #tpu.memory_space<vmem>>) dst(%dma_wait3A_32 : memref<10112x32xf32, #tpu.memory_space<vmem_shared>>)
      tpu.yield
    }) : () -> ()
    %barrier3A_22 = arith.constant 0 : index
    tpu.barrier barrier_id(%barrier3A_22)
    %mul3A_23 = arith.constant 632 : i32
    %mul3A_24 = arith.muli %arg1, %mul3A_23 : i32
    %mul3A_25 = arith.constant 632 : i32
    %mul3A_26 = arith.muli %arg1, %mul3A_25 : i32
    "tpu.region"() ({
      %run_scoped3A = tpu.sem_alloc : memref<!tpu.dma_semaphore, #tpu.memory_space<semaphore_mem>>
      %dma_start3A_27 = arith.constant 0 : i32
      %dma_start3A_28 = tpu.memref_slice %arg5[%arg0, %mul3A_26, %dma_start3A_27] : memref<2x10112x32xf32, #tpu.memory_space<hbm>> -> memref<1x632x32xf32, #tpu.memory_space<hbm>>
      %dma_start3A_29 = tpu.memref_squeeze %dma_start3A_28 : memref<1x632x32xf32, #tpu.memory_space<hbm>> -> memref<632x32xf32, #tpu.memory_space<hbm>>
      %dma_start3A_30 = arith.constant 0 : i32
      %dma_start3A_31 = tpu.memref_slice %arg9[%mul3A_24, %dma_start3A_30] : memref<10112x32xf32, #tpu.memory_space<vmem_shared>> -> memref<632x32xf32, #tpu.memory_space<vmem_shared>>
      tpu.enqueue_dma source(%dma_start3A_31 : memref<632x32xf32, #tpu.memory_space<vmem_shared>>) target(%dma_start3A_29 : memref<632x32xf32, #tpu.memory_space<hbm>>) target_semaphore(%run_scoped3A : memref<!tpu.dma_semaphore, #tpu.memory_space<semaphore_mem>>)
      %dma_wait3A_32 = arith.constant 0 : i32
      %dma_wait3A_33 = tpu.memref_slice %arg5[%arg0, %mul3A_26, %dma_wait3A_32] : memref<2x10112x32xf32, #tpu.memory_space<hbm>> -> memref<1x632x32xf32, #tpu.memory_space<hbm>>
      %dma_wait3A_34 = tpu.memref_squeeze %dma_wait3A_33 : memref<1x632x32xf32, #tpu.memory_space<hbm>> -> memref<632x32xf32, #tpu.memory_space<hbm>>
      %dma_wait3A_35 = arith.constant 0 : i32
      %dma_wait3A_36 = tpu.memref_slice %arg9[%mul3A_24, %dma_wait3A_35] : memref<10112x32xf32, #tpu.memory_space<vmem_shared>> -> memref<632x32xf32, #tpu.memory_space<vmem_shared>>
      tpu.wait_dma2 semaphore(%run_scoped3A : memref<!tpu.dma_semaphore, #tpu.memory_space<semaphore_mem>>) src(%dma_wait3A_36 : memref<632x32xf32, #tpu.memory_space<vmem_shared>>) dst(%dma_wait3A_34 : memref<632x32xf32, #tpu.memory_space<hbm>>)
      tpu.yield
    }) : () -> ()
    return
  }
}

#map = affine_map<(d0, d1) -> (0, 0)>
#map1 = affine_map<(d0, d1) -> (0)>
#map2 = affine_map<(d0, d1) -> (0, 0, 0)>
module attributes {stable_mosaic.version = 14 : i64} {
  func.func @k(%arg0: i32, %arg1: i32, %arg2: memref<10000x16xf32, #tpu.memory_space<hbm>>, %arg3: memref<320000xi32, #tpu.memory_space<hbm>>, %arg4: memref<320000xi32, #tpu.memory_space<hbm>>, %arg5: memref<2x10112x16xf32, #tpu.memory_space<hbm>>, %arg6: memref<128xi32, #tpu.memory_space<vmem>>, %arg7: memref<128xi32, #tpu.memory_space<vmem>>, %arg8: memref<128x16xf32, #tpu.memory_space<vmem>>, %arg9: memref<10112x16xf32, #tpu.memory_space<vmem_shared>>, %arg10: memref<632x16xf32, #tpu.memory_space<vmem>>, %arg11: memref<!tpu.dma_semaphore, #tpu.memory_space<semaphore_mem>>, %arg12: memref<16xi32, #tpu.memory_space<vmem>>, %arg13: memref<16xi32, #tpu.memory_space<vmem>>, %arg14: memref<16x16xf32, #tpu.memory_space<vmem>>) attributes {dimension_semantics = [#tpu.dimension_semantics<core_parallel>, #tpu.dimension_semantics<subcore_parallel>], iteration_bounds = array<i64: 2, 16>, scalar_prefetch = 0 : i64, scratch_operands = 9 : i64, tpu.core_type = #tpu.core_type<sc_vector_subcore>, window_params = [{transform_indices = #map}, {transform_indices = #map1}, {transform_indices = #map1}, {transform_indices = #map2}]} {
    %mul3A = arith.constant 2 : i32
    %mul3A_0 = arith.muli %arg1, %mul3A : i32
    %add3A = arith.addi %mul3A_0, %arg0 : i32
    %scan3A = arith.constant 0 : i32
    %scan3A_1 = arith.constant 0 : i32
    %scan3A_2 = arith.constant 632 : i32
    %scan3A_3 = arith.addi %scan3A_1, %scan3A_2 : i32
    %scan3A_4 = arith.constant 1 : i32
    scf.for %scan3A_27 = %scan3A_1 to %scan3A_3 step %scan3A_4  : i32 {
      %broadcast_in_dim3A = arith.constant 0.000000e+00 : f32
      %broadcast_in_dim3A_28 = vector.broadcast %broadcast_in_dim3A : f32 to vector<16xf32>
      %swap3A = arith.index_cast %scan3A_27 : i32 to index
      %swap3A_29 = arith.constant 0 : index
      %swap3A_30 = tpu.vector_load %arg10[%swap3A, %swap3A_29] {strides = array<i32>} : memref<632x16xf32, #tpu.memory_space<vmem>>, vector<1x16xf32>,
      %swap3A_31 = vector.shape_cast %swap3A_30 : vector<1x16xf32> to vector<16xf32>
      %swap3A_32 = vector.shape_cast %broadcast_in_dim3A_28 : vector<16xf32> to vector<1x16xf32>
      tpu.vector_store %arg10[%swap3A, %swap3A_29], %swap3A_32 {strides = array<i32>} : memref<632x16xf32, #tpu.memory_space<vmem>>, vector<1x16xf32>,
    }
    %scan3A_5 = arith.constant 632 : i32
    %mul3A_6 = arith.constant 632 : i32
    %mul3A_7 = arith.muli %arg1, %mul3A_6 : i32
    "tpu.region"() ({
      %run_scoped3A = tpu.sem_alloc : memref<!tpu.dma_semaphore, #tpu.memory_space<semaphore_mem>>
      %dma_start3A_27 = arith.constant 0 : i32
      %dma_start3A_28 = tpu.memref_slice %arg9[%mul3A_7, %dma_start3A_27] : memref<10112x16xf32, #tpu.memory_space<vmem_shared>> -> memref<632x16xf32, #tpu.memory_space<vmem_shared>>
      %dma_start3A_29 = arith.constant 0 : i32
      %dma_start3A_30 = tpu.memref_slice %arg9[%mul3A_7, %dma_start3A_29] : memref<10112x16xf32, #tpu.memory_space<vmem_shared>> -> memref<632x16xf32, #tpu.memory_space<vmem_shared>>
      tpu.enqueue_dma source(%arg10 : memref<632x16xf32, #tpu.memory_space<vmem>>) target(%dma_start3A_30 : memref<632x16xf32, #tpu.memory_space<vmem_shared>>) target_semaphore(%run_scoped3A : memref<!tpu.dma_semaphore, #tpu.memory_space<semaphore_mem>>)
      %dma_wait3A_31 = arith.constant 0 : i32
      %dma_wait3A_32 = tpu.memref_slice %arg9[%mul3A_7, %dma_wait3A_31] : memref<10112x16xf32, #tpu.memory_space<vmem_shared>> -> memref<632x16xf32, #tpu.memory_space<vmem_shared>>
      %dma_wait3A_33 = arith.constant 0 : i32
      %dma_wait3A_34 = tpu.memref_slice %arg9[%mul3A_7, %dma_wait3A_33] : memref<10112x16xf32, #tpu.memory_space<vmem_shared>> -> memref<632x16xf32, #tpu.memory_space<vmem_shared>>
      tpu.wait_dma2 semaphore(%run_scoped3A : memref<!tpu.dma_semaphore, #tpu.memory_space<semaphore_mem>>) src(%arg10 : memref<632x16xf32, #tpu.memory_space<vmem>>) dst(%dma_wait3A_34 : memref<632x16xf32, #tpu.memory_space<vmem_shared>>)
      tpu.yield
    }) : () -> ()
    %barrier3A = arith.constant 0 : index
    tpu.barrier barrier_id(%barrier3A)
    %mul3A_8 = arith.constant 10000 : i32
    %mul3A_9 = arith.muli %add3A, %mul3A_8 : i32
    %scan3A_10 = arith.constant 0 : i32
    %scan3A_11 = arith.constant 0 : i32
    %scan3A_12 = arith.constant 78 : i32
    %scan3A_13 = arith.addi %scan3A_11, %scan3A_12 : i32
    %scan3A_14 = arith.constant 1 : i32
    scf.for %scan3A_27 = %scan3A_11 to %scan3A_13 step %scan3A_14  : i32 {
      %mul3A_28 = arith.constant 128 : i32
      %mul3A_29 = arith.muli %scan3A_27, %mul3A_28 : i32
      %add3A_30 = arith.addi %mul3A_9, %mul3A_29 : i32
      "tpu.region"() ({
        %run_scoped3A = tpu.sem_alloc : memref<!tpu.dma_semaphore, #tpu.memory_space<semaphore_mem>>
        %dma_start3A_37 = tpu.memref_slice %arg3[%add3A_30] : memref<320000xi32, #tpu.memory_space<hbm>> -> memref<128xi32, #tpu.memory_space<hbm>>
        %dma_start3A_38 = tpu.memref_slice %arg3[%add3A_30] : memref<320000xi32, #tpu.memory_space<hbm>> -> memref<128xi32, #tpu.memory_space<hbm>>
        tpu.enqueue_dma source(%dma_start3A_38 : memref<128xi32, #tpu.memory_space<hbm>>) target(%arg6 : memref<128xi32, #tpu.memory_space<vmem>>) target_semaphore(%run_scoped3A : memref<!tpu.dma_semaphore, #tpu.memory_space<semaphore_mem>>)
        %dma_wait3A_39 = tpu.memref_slice %arg3[%add3A_30] : memref<320000xi32, #tpu.memory_space<hbm>> -> memref<128xi32, #tpu.memory_space<hbm>>
        %dma_wait3A_40 = tpu.memref_slice %arg3[%add3A_30] : memref<320000xi32, #tpu.memory_space<hbm>> -> memref<128xi32, #tpu.memory_space<hbm>>
        tpu.wait_dma2 semaphore(%run_scoped3A : memref<!tpu.dma_semaphore, #tpu.memory_space<semaphore_mem>>) src(%dma_wait3A_40 : memref<128xi32, #tpu.memory_space<hbm>>) dst(%arg6 : memref<128xi32, #tpu.memory_space<vmem>>)
        tpu.yield
      }) : () -> ()
      "tpu.region"() ({
        %run_scoped3A = tpu.sem_alloc : memref<!tpu.dma_semaphore, #tpu.memory_space<semaphore_mem>>
        %dma_start3A_37 = tpu.memref_slice %arg4[%add3A_30] : memref<320000xi32, #tpu.memory_space<hbm>> -> memref<128xi32, #tpu.memory_space<hbm>>
        %dma_start3A_38 = tpu.memref_slice %arg4[%add3A_30] : memref<320000xi32, #tpu.memory_space<hbm>> -> memref<128xi32, #tpu.memory_space<hbm>>
        tpu.enqueue_dma source(%dma_start3A_38 : memref<128xi32, #tpu.memory_space<hbm>>) target(%arg7 : memref<128xi32, #tpu.memory_space<vmem>>) target_semaphore(%run_scoped3A : memref<!tpu.dma_semaphore, #tpu.memory_space<semaphore_mem>>)
        %dma_wait3A_39 = tpu.memref_slice %arg4[%add3A_30] : memref<320000xi32, #tpu.memory_space<hbm>> -> memref<128xi32, #tpu.memory_space<hbm>>
        %dma_wait3A_40 = tpu.memref_slice %arg4[%add3A_30] : memref<320000xi32, #tpu.memory_space<hbm>> -> memref<128xi32, #tpu.memory_space<hbm>>
        tpu.wait_dma2 semaphore(%run_scoped3A : memref<!tpu.dma_semaphore, #tpu.memory_space<semaphore_mem>>) src(%dma_wait3A_40 : memref<128xi32, #tpu.memory_space<hbm>>) dst(%arg7 : memref<128xi32, #tpu.memory_space<vmem>>)
        tpu.yield
      }) : () -> ()
      %dma_start3A_31 = arith.constant 0 : i32
      %dma_start3A_32 = arith.constant 0 : i32
      %dma_start3A_33 = tpu.memref_slice %arg2[%dma_start3A_31, %dma_start3A_32] : memref<10000x16xf32, #tpu.memory_space<hbm>> -> memref<10000x16xf32, #tpu.memory_space<hbm>>
      tpu.enqueue_indirect_dma source(%dma_start3A_33 : memref<10000x16xf32, #tpu.memory_space<hbm>>) target(%arg8 : memref<128x16xf32, #tpu.memory_space<vmem>>) offsets(%arg6 : memref<128xi32, #tpu.memory_space<vmem>>) semaphore(%arg11 : memref<!tpu.dma_semaphore, #tpu.memory_space<semaphore_mem>>)
      %dma_wait3A_34 = arith.constant 0 : i32
      %dma_wait3A_35 = arith.constant 0 : i32
      %dma_wait3A_36 = tpu.memref_slice %arg2[%dma_wait3A_34, %dma_wait3A_35] : memref<10000x16xf32, #tpu.memory_space<hbm>> -> memref<10000x16xf32, #tpu.memory_space<hbm>>
      tpu.wait_indirect_dma semaphore(%arg11 : memref<!tpu.dma_semaphore, #tpu.memory_space<semaphore_mem>>) src(%dma_wait3A_36 : memref<10000x16xf32, #tpu.memory_space<hbm>>) dst(%arg8 : memref<128x16xf32, #tpu.memory_space<vmem>>)
      "tpu.region"() ({
        %run_scoped3A = tpu.sem_alloc : memref<!tpu.dma_semaphore, #tpu.memory_space<semaphore_mem>>
        %dma_start3A_37 = arith.constant 0 : i32
        %dma_start3A_38 = arith.constant 0 : i32
        %dma_start3A_39 = tpu.memref_slice %arg9[%dma_start3A_37, %dma_start3A_38] : memref<10112x16xf32, #tpu.memory_space<vmem_shared>> -> memref<10112x16xf32, #tpu.memory_space<vmem_shared>>
        tpu.enqueue_indirect_dma source(%arg8 : memref<128x16xf32, #tpu.memory_space<vmem>>) target(%dma_start3A_39 : memref<10112x16xf32, #tpu.memory_space<vmem_shared>>) offsets(%arg7 : memref<128xi32, #tpu.memory_space<vmem>>) semaphore(%run_scoped3A : memref<!tpu.dma_semaphore, #tpu.memory_space<semaphore_mem>>) {add = true}
        %dma_wait3A_40 = arith.constant 0 : i32
        %dma_wait3A_41 = arith.constant 0 : i32
        %dma_wait3A_42 = tpu.memref_slice %arg9[%dma_wait3A_40, %dma_wait3A_41] : memref<10112x16xf32, #tpu.memory_space<vmem_shared>> -> memref<10112x16xf32, #tpu.memory_space<vmem_shared>>
        tpu.wait_indirect_dma semaphore(%run_scoped3A : memref<!tpu.dma_semaphore, #tpu.memory_space<semaphore_mem>>) src(%arg8 : memref<128x16xf32, #tpu.memory_space<vmem>>) dst(%dma_wait3A_42 : memref<10112x16xf32, #tpu.memory_space<vmem_shared>>)
        tpu.yield
      }) : () -> ()
    }
    %scan3A_15 = arith.constant 78 : i32
    %add3A_16 = arith.constant 9984 : i32
    %add3A_17 = arith.addi %mul3A_9, %add3A_16 : i32
    "tpu.region"() ({
      %run_scoped3A = tpu.sem_alloc : memref<!tpu.dma_semaphore, #tpu.memory_space<semaphore_mem>>
      %dma_start3A_27 = tpu.memref_slice %arg3[%add3A_17] : memref<320000xi32, #tpu.memory_space<hbm>> -> memref<16xi32, #tpu.memory_space<hbm>>
      %dma_start3A_28 = tpu.memref_slice %arg3[%add3A_17] : memref<320000xi32, #tpu.memory_space<hbm>> -> memref<16xi32, #tpu.memory_space<hbm>>
      tpu.enqueue_dma source(%dma_start3A_28 : memref<16xi32, #tpu.memory_space<hbm>>) target(%arg12 : memref<16xi32, #tpu.memory_space<vmem>>) target_semaphore(%run_scoped3A : memref<!tpu.dma_semaphore, #tpu.memory_space<semaphore_mem>>)
      %dma_wait3A_29 = tpu.memref_slice %arg3[%add3A_17] : memref<320000xi32, #tpu.memory_space<hbm>> -> memref<16xi32, #tpu.memory_space<hbm>>
      %dma_wait3A_30 = tpu.memref_slice %arg3[%add3A_17] : memref<320000xi32, #tpu.memory_space<hbm>> -> memref<16xi32, #tpu.memory_space<hbm>>
      tpu.wait_dma2 semaphore(%run_scoped3A : memref<!tpu.dma_semaphore, #tpu.memory_space<semaphore_mem>>) src(%dma_wait3A_30 : memref<16xi32, #tpu.memory_space<hbm>>) dst(%arg12 : memref<16xi32, #tpu.memory_space<vmem>>)
      tpu.yield
    }) : () -> ()
    "tpu.region"() ({
      %run_scoped3A = tpu.sem_alloc : memref<!tpu.dma_semaphore, #tpu.memory_space<semaphore_mem>>
      %dma_start3A_27 = tpu.memref_slice %arg4[%add3A_17] : memref<320000xi32, #tpu.memory_space<hbm>> -> memref<16xi32, #tpu.memory_space<hbm>>
      %dma_start3A_28 = tpu.memref_slice %arg4[%add3A_17] : memref<320000xi32, #tpu.memory_space<hbm>> -> memref<16xi32, #tpu.memory_space<hbm>>
      tpu.enqueue_dma source(%dma_start3A_28 : memref<16xi32, #tpu.memory_space<hbm>>) target(%arg13 : memref<16xi32, #tpu.memory_space<vmem>>) target_semaphore(%run_scoped3A : memref<!tpu.dma_semaphore, #tpu.memory_space<semaphore_mem>>)
      %dma_wait3A_29 = tpu.memref_slice %arg4[%add3A_17] : memref<320000xi32, #tpu.memory_space<hbm>> -> memref<16xi32, #tpu.memory_space<hbm>>
      %dma_wait3A_30 = tpu.memref_slice %arg4[%add3A_17] : memref<320000xi32, #tpu.memory_space<hbm>> -> memref<16xi32, #tpu.memory_space<hbm>>
      tpu.wait_dma2 semaphore(%run_scoped3A : memref<!tpu.dma_semaphore, #tpu.memory_space<semaphore_mem>>) src(%dma_wait3A_30 : memref<16xi32, #tpu.memory_space<hbm>>) dst(%arg13 : memref<16xi32, #tpu.memory_space<vmem>>)
      tpu.yield
    }) : () -> ()
    %dma_start3A = arith.constant 0 : i32
    %dma_start3A_18 = arith.constant 0 : i32
    %dma_start3A_19 = tpu.memref_slice %arg2[%dma_start3A, %dma_start3A_18] : memref<10000x16xf32, #tpu.memory_space<hbm>> -> memref<10000x16xf32, #tpu.memory_space<hbm>>
    tpu.enqueue_indirect_dma source(%dma_start3A_19 : memref<10000x16xf32, #tpu.memory_space<hbm>>) target(%arg14 : memref<16x16xf32, #tpu.memory_space<vmem>>) offsets(%arg12 : memref<16xi32, #tpu.memory_space<vmem>>) semaphore(%arg11 : memref<!tpu.dma_semaphore, #tpu.memory_space<semaphore_mem>>)
    %dma_wait3A = arith.constant 0 : i32
    %dma_wait3A_20 = arith.constant 0 : i32
    %dma_wait3A_21 = tpu.memref_slice %arg2[%dma_wait3A, %dma_wait3A_20] : memref<10000x16xf32, #tpu.memory_space<hbm>> -> memref<10000x16xf32, #tpu.memory_space<hbm>>
    tpu.wait_indirect_dma semaphore(%arg11 : memref<!tpu.dma_semaphore, #tpu.memory_space<semaphore_mem>>) src(%dma_wait3A_21 : memref<10000x16xf32, #tpu.memory_space<hbm>>) dst(%arg14 : memref<16x16xf32, #tpu.memory_space<vmem>>)
    "tpu.region"() ({
      %run_scoped3A = tpu.sem_alloc : memref<!tpu.dma_semaphore, #tpu.memory_space<semaphore_mem>>
      %dma_start3A_27 = arith.constant 0 : i32
      %dma_start3A_28 = arith.constant 0 : i32
      %dma_start3A_29 = tpu.memref_slice %arg9[%dma_start3A_27, %dma_start3A_28] : memref<10112x16xf32, #tpu.memory_space<vmem_shared>> -> memref<10112x16xf32, #tpu.memory_space<vmem_shared>>
      tpu.enqueue_indirect_dma source(%arg14 : memref<16x16xf32, #tpu.memory_space<vmem>>) target(%dma_start3A_29 : memref<10112x16xf32, #tpu.memory_space<vmem_shared>>) offsets(%arg13 : memref<16xi32, #tpu.memory_space<vmem>>) semaphore(%run_scoped3A : memref<!tpu.dma_semaphore, #tpu.memory_space<semaphore_mem>>) {add = true}
      %dma_wait3A_30 = arith.constant 0 : i32
      %dma_wait3A_31 = arith.constant 0 : i32
      %dma_wait3A_32 = tpu.memref_slice %arg9[%dma_wait3A_30, %dma_wait3A_31] : memref<10112x16xf32, #tpu.memory_space<vmem_shared>> -> memref<10112x16xf32, #tpu.memory_space<vmem_shared>>
      tpu.wait_indirect_dma semaphore(%run_scoped3A : memref<!tpu.dma_semaphore, #tpu.memory_space<semaphore_mem>>) src(%arg14 : memref<16x16xf32, #tpu.memory_space<vmem>>) dst(%dma_wait3A_32 : memref<10112x16xf32, #tpu.memory_space<vmem_shared>>)
      tpu.yield
    }) : () -> ()
    %barrier3A_22 = arith.constant 0 : index
    tpu.barrier barrier_id(%barrier3A_22)
    %mul3A_23 = arith.constant 632 : i32
    %mul3A_24 = arith.muli %arg1, %mul3A_23 : i32
    %mul3A_25 = arith.constant 632 : i32
    %mul3A_26 = arith.muli %arg1, %mul3A_25 : i32
    "tpu.region"() ({
      %run_scoped3A = tpu.sem_alloc : memref<!tpu.dma_semaphore, #tpu.memory_space<semaphore_mem>>
      %dma_start3A_27 = arith.constant 0 : i32
      %dma_start3A_28 = tpu.memref_slice %arg5[%arg0, %mul3A_26, %dma_start3A_27] : memref<2x10112x16xf32, #tpu.memory_space<hbm>> -> memref<1x632x16xf32, #tpu.memory_space<hbm>>
      %dma_start3A_29 = tpu.memref_squeeze %dma_start3A_28 : memref<1x632x16xf32, #tpu.memory_space<hbm>> -> memref<632x16xf32, #tpu.memory_space<hbm>>
      %dma_start3A_30 = arith.constant 0 : i32
      %dma_start3A_31 = tpu.memref_slice %arg9[%mul3A_24, %dma_start3A_30] : memref<10112x16xf32, #tpu.memory_space<vmem_shared>> -> memref<632x16xf32, #tpu.memory_space<vmem_shared>>
      tpu.enqueue_dma source(%dma_start3A_31 : memref<632x16xf32, #tpu.memory_space<vmem_shared>>) target(%dma_start3A_29 : memref<632x16xf32, #tpu.memory_space<hbm>>) target_semaphore(%run_scoped3A : memref<!tpu.dma_semaphore, #tpu.memory_space<semaphore_mem>>)
      %dma_wait3A_32 = arith.constant 0 : i32
      %dma_wait3A_33 = tpu.memref_slice %arg5[%arg0, %mul3A_26, %dma_wait3A_32] : memref<2x10112x16xf32, #tpu.memory_space<hbm>> -> memref<1x632x16xf32, #tpu.memory_space<hbm>>
      %dma_wait3A_34 = tpu.memref_squeeze %dma_wait3A_33 : memref<1x632x16xf32, #tpu.memory_space<hbm>> -> memref<632x16xf32, #tpu.memory_space<hbm>>
      %dma_wait3A_35 = arith.constant 0 : i32
      %dma_wait3A_36 = tpu.memref_slice %arg9[%mul3A_24, %dma_wait3A_35] : memref<10112x16xf32, #tpu.memory_space<vmem_shared>> -> memref<632x16xf32, #tpu.memory_space<vmem_shared>>
      tpu.wait_dma2 semaphore(%run_scoped3A : memref<!tpu.dma_semaphore, #tpu.memory_space<semaphore_mem>>) src(%dma_wait3A_36 : memref<632x16xf32, #tpu.memory_space<vmem_shared>>) dst(%dma_wait3A_34 : memref<632x16xf32, #tpu.memory_space<hbm>>)
      tpu.yield
    }) : () -> ()
    return
  }
}

module attributes {stable_mosaic.version = 14 : i64} {
  func.func @_pre_body(%arg0: i32, %arg1: memref<2x2000x16xf32, #tpu.memory_space<vmem>>, %arg2: memref<2000x128xf32, #tpu.memory_space<vmem>>, %arg3: memref<128x16xf32, #tpu.memory_space<vmem>>, %arg4: memref<2000x1xf32, #tpu.memory_space<vmem>>, %arg5: memref<2000x16xf32, #tpu.memory_space<vmem>>) attributes {dimension_semantics = [#tpu.dimension_semantics<arbitrary>], iteration_bounds = array<i64: 5>, scalar_prefetch = 0 : i64, scratch_operands = 0 : i64, tpu.core_type = #tpu.core_type<tc>, window_params = [{transform_indices = @transform_0, window_bounds = array<i64: 2, 2000, 16>}, {transform_indices = @transform_1, window_bounds = array<i64: 2000, 128>}, {pipeline_mode = #tpu.pipeline_mode<synchronous>, transform_indices = @transform_2, window_bounds = array<i64: 128, 16>}, {transform_indices = @transform_3, window_bounds = array<i64: 2000, 1>}, {transform_indices = @transform_4, window_bounds = array<i64: 2000, 16>}]} {
    %get3A = arith.constant 0 : index
    %get3A_0 = arith.constant 0 : index
    %get3A_1 = arith.constant 0 : index
    %get3A_2 = vector.load %arg1[%get3A, %get3A_0, %get3A_1] : memref<2x2000x16xf32, #tpu.memory_space<vmem>>, vector<1x2000x1xf32>
    %get3A_3 = vector.shape_cast %get3A_2 : vector<1x2000x1xf32> to vector<2000x1xf32>
    %get3A_4 = arith.constant 1 : index
    %get3A_5 = arith.constant 0 : index
    %get3A_6 = arith.constant 0 : index
    %get3A_7 = vector.load %arg1[%get3A_4, %get3A_5, %get3A_6] : memref<2x2000x16xf32, #tpu.memory_space<vmem>>, vector<1x2000x1xf32>
    %get3A_8 = vector.shape_cast %get3A_7 : vector<1x2000x1xf32> to vector<2000x1xf32>
    %add3A = arith.addf %get3A_3, %get3A_8 : vector<2000x1xf32>
    %add3A_9 = arith.constant 1.000000e+00 : f32
    %add3A_10 = vector.broadcast %add3A_9 : f32 to vector<2000x1xf32>
    %add3A_11 = arith.addf %add3A, %add3A_10 : vector<2000x1xf32>
    %rsqrt3A = math.rsqrt %add3A_11 : vector<2000x1xf32>
    %swap3A = arith.constant 0 : index
    %swap3A_12 = arith.constant 0 : index
    %swap3A_13 = vector.load %arg4[%swap3A, %swap3A_12] : memref<2000x1xf32, #tpu.memory_space<vmem>>, vector<2000x1xf32>
    tpu.vector_store %arg4[%swap3A, %swap3A_12], %rsqrt3A {strides = array<i32>} : memref<2000x1xf32, #tpu.memory_space<vmem>>, vector<2000x1xf32>,
    %get3A_14 = arith.constant 0 : index
    %get3A_15 = arith.constant 0 : index
    %get3A_16 = vector.load %arg2[%get3A_14, %get3A_15] : memref<2000x128xf32, #tpu.memory_space<vmem>>, vector<2000x128xf32>
    %get3A_17 = arith.constant 0 : index
    %get3A_18 = arith.constant 0 : index
    %get3A_19 = vector.load %arg3[%get3A_17, %get3A_18] : memref<128x16xf32, #tpu.memory_space<vmem>>, vector<128x16xf32>
    %dot_general3A = arith.constant dense<0.000000e+00> : vector<2000x16xf32>
    %dot_general3A_20 = tpu.matmul %get3A_16, %get3A_19, %dot_general3A {dimension_numbers = #tpu.dot_dimension_numbers<[1], [0], [0], [1], [0, 0, 1, 1], [], []>, precision = #tpu.contract_precision<fp32>, transpose_lhs_hint = false} : vector<2000x128xf32>, vector<128x16xf32>, vector<2000x16xf32> -> vector<2000x16xf32>
    %mul3A = vector.broadcast %rsqrt3A : vector<2000x1xf32> to vector<2000x16xf32>
    %mul3A_21 = arith.mulf %mul3A, %dot_general3A_20 : vector<2000x16xf32>
    %swap3A_22 = arith.constant 0 : index
    %swap3A_23 = arith.constant 0 : index
    %swap3A_24 = vector.load %arg5[%swap3A_22, %swap3A_23] : memref<2000x16xf32, #tpu.memory_space<vmem>>, vector<2000x16xf32>
    tpu.vector_store %arg5[%swap3A_22, %swap3A_23], %mul3A_21 {strides = array<i32>} : memref<2000x16xf32, #tpu.memory_space<vmem>>, vector<2000x16xf32>,
    return
  }
  func.func @transform_0(%arg0: i32) -> (i32, i32, i32) {
    %c0_i32 = arith.constant 0 : i32
    %c0_i32_0 = arith.constant 0 : i32
    %c0_i32_1 = arith.constant 0 : i32
    return %c0_i32, %arg0, %c0_i32_0 : i32, i32, i32
  }
  func.func @transform_1(%arg0: i32) -> (i32, i32) {
    %c0_i32 = arith.constant 0 : i32
    %c0_i32_0 = arith.constant 0 : i32
    return %arg0, %c0_i32 : i32, i32
  }
  func.func @transform_2(%arg0: i32) -> (i32, i32) {
    %c0_i32 = arith.constant 0 : i32
    %c0_i32_0 = arith.constant 0 : i32
    %c0_i32_1 = arith.constant 0 : i32
    return %c0_i32, %c0_i32_0 : i32, i32
  }
  func.func @transform_3(%arg0: i32) -> (i32, i32) {
    %c0_i32 = arith.constant 0 : i32
    %c0_i32_0 = arith.constant 0 : i32
    return %arg0, %c0_i32 : i32, i32
  }
  func.func @transform_4(%arg0: i32) -> (i32, i32) {
    %c0_i32 = arith.constant 0 : i32
    %c0_i32_0 = arith.constant 0 : i32
    return %arg0, %c0_i32 : i32, i32
  }
}

module attributes {stable_mosaic.version = 14 : i64} {
  func.func @_mid_body(%arg0: i32, %arg1: memref<2x2000x16xf32, #tpu.memory_space<vmem>>, %arg2: memref<2000x16xf32, #tpu.memory_space<vmem>>, %arg3: memref<2000x1xf32, #tpu.memory_space<vmem>>, %arg4: memref<1x16xf32, #tpu.memory_space<vmem>>, %arg5: memref<16x32xf32, #tpu.memory_space<vmem>>, %arg6: memref<2000x32xf32, #tpu.memory_space<vmem>>) attributes {dimension_semantics = [#tpu.dimension_semantics<arbitrary>], iteration_bounds = array<i64: 5>, scalar_prefetch = 0 : i64, scratch_operands = 0 : i64, tpu.core_type = #tpu.core_type<tc>, window_params = [{transform_indices = @transform_0, window_bounds = array<i64: 2, 2000, 16>}, {transform_indices = @transform_1, window_bounds = array<i64: 2000, 16>}, {transform_indices = @transform_2, window_bounds = array<i64: 2000, 1>}, {pipeline_mode = #tpu.pipeline_mode<synchronous>, transform_indices = @transform_3, window_bounds = array<i64: 1, 16>}, {pipeline_mode = #tpu.pipeline_mode<synchronous>, transform_indices = @transform_4, window_bounds = array<i64: 16, 32>}, {transform_indices = @transform_5, window_bounds = array<i64: 2000, 32>}]} {
    %get3A = arith.constant 0 : index
    %get3A_0 = arith.constant 0 : index
    %get3A_1 = arith.constant 0 : index
    %get3A_2 = vector.load %arg1[%get3A, %get3A_0, %get3A_1] : memref<2x2000x16xf32, #tpu.memory_space<vmem>>, vector<1x2000x16xf32>
    %get3A_3 = vector.shape_cast %get3A_2 : vector<1x2000x16xf32> to vector<2000x16xf32>
    %get3A_4 = arith.constant 1 : index
    %get3A_5 = arith.constant 0 : index
    %get3A_6 = arith.constant 0 : index
    %get3A_7 = vector.load %arg1[%get3A_4, %get3A_5, %get3A_6] : memref<2x2000x16xf32, #tpu.memory_space<vmem>>, vector<1x2000x16xf32>
    %get3A_8 = vector.shape_cast %get3A_7 : vector<1x2000x16xf32> to vector<2000x16xf32>
    %add3A = arith.addf %get3A_3, %get3A_8 : vector<2000x16xf32>
    %get3A_9 = arith.constant 0 : index
    %get3A_10 = arith.constant 0 : index
    %get3A_11 = vector.load %arg2[%get3A_9, %get3A_10] : memref<2000x16xf32, #tpu.memory_space<vmem>>, vector<2000x16xf32>
    %add3A_12 = arith.addf %add3A, %get3A_11 : vector<2000x16xf32>
    %get3A_13 = arith.constant 0 : index
    %get3A_14 = arith.constant 0 : index
    %get3A_15 = vector.load %arg3[%get3A_13, %get3A_14] : memref<2000x1xf32, #tpu.memory_space<vmem>>, vector<2000x1xf32>
    %mul3A = vector.broadcast %get3A_15 : vector<2000x1xf32> to vector<2000x16xf32>
    %mul3A_16 = arith.mulf %mul3A, %add3A_12 : vector<2000x16xf32>
    %get3A_17 = arith.constant 0 : index
    %get3A_18 = arith.constant 0 : index
    %get3A_19 = vector.load %arg4[%get3A_17, %get3A_18] : memref<1x16xf32, #tpu.memory_space<vmem>>, vector<1x16xf32>
    %add3A_20 = vector.broadcast %get3A_19 : vector<1x16xf32> to vector<2000x16xf32>
    %add3A_21 = arith.addf %mul3A_16, %add3A_20 : vector<2000x16xf32>
    %max3A = arith.constant 0.000000e+00 : f32
    %max3A_22 = vector.broadcast %max3A : f32 to vector<2000x16xf32>
    %max3A_23 = arith.maximumf %add3A_21, %max3A_22 : vector<2000x16xf32>
    %get3A_24 = arith.constant 0 : index
    %get3A_25 = arith.constant 0 : index
    %get3A_26 = vector.load %arg3[%get3A_24, %get3A_25] : memref<2000x1xf32, #tpu.memory_space<vmem>>, vector<2000x1xf32>
    %get3A_27 = arith.constant 0 : index
    %get3A_28 = arith.constant 0 : index
    %get3A_29 = vector.load %arg5[%get3A_27, %get3A_28] : memref<16x32xf32, #tpu.memory_space<vmem>>, vector<16x32xf32>
    %dot_general3A = arith.constant dense<0.000000e+00> : vector<2000x32xf32>
    %dot_general3A_30 = tpu.matmul %max3A_23, %get3A_29, %dot_general3A {dimension_numbers = #tpu.dot_dimension_numbers<[1], [0], [0], [1], [0, 0, 1, 1], [], []>, precision = #tpu.contract_precision<fp32>, transpose_lhs_hint = false} : vector<2000x16xf32>, vector<16x32xf32>, vector<2000x32xf32> -> vector<2000x32xf32>
    %mul3A_31 = vector.broadcast %get3A_26 : vector<2000x1xf32> to vector<2000x32xf32>
    %mul3A_32 = arith.mulf %mul3A_31, %dot_general3A_30 : vector<2000x32xf32>
    %swap3A = arith.constant 0 : index
    %swap3A_33 = arith.constant 0 : index
    %swap3A_34 = vector.load %arg6[%swap3A, %swap3A_33] : memref<2000x32xf32, #tpu.memory_space<vmem>>, vector<2000x32xf32>
    tpu.vector_store %arg6[%swap3A, %swap3A_33], %mul3A_32 {strides = array<i32>} : memref<2000x32xf32, #tpu.memory_space<vmem>>, vector<2000x32xf32>,
    return
  }
  func.func @transform_0(%arg0: i32) -> (i32, i32, i32) {
    %c0_i32 = arith.constant 0 : i32
    %c0_i32_0 = arith.constant 0 : i32
    %c0_i32_1 = arith.constant 0 : i32
    return %c0_i32, %arg0, %c0_i32_0 : i32, i32, i32
  }
  func.func @transform_1(%arg0: i32) -> (i32, i32) {
    %c0_i32 = arith.constant 0 : i32
    %c0_i32_0 = arith.constant 0 : i32
    return %arg0, %c0_i32 : i32, i32
  }
  func.func @transform_2(%arg0: i32) -> (i32, i32) {
    %c0_i32 = arith.constant 0 : i32
    %c0_i32_0 = arith.constant 0 : i32
    return %arg0, %c0_i32 : i32, i32
  }
  func.func @transform_3(%arg0: i32) -> (i32, i32) {
    %c0_i32 = arith.constant 0 : i32
    %c0_i32_0 = arith.constant 0 : i32
    %c0_i32_1 = arith.constant 0 : i32
    return %c0_i32, %c0_i32_0 : i32, i32
  }
  func.func @transform_4(%arg0: i32) -> (i32, i32) {
    %c0_i32 = arith.constant 0 : i32
    %c0_i32_0 = arith.constant 0 : i32
    %c0_i32_1 = arith.constant 0 : i32
    return %c0_i32, %c0_i32_0 : i32, i32
  }
  func.func @transform_5(%arg0: i32) -> (i32, i32) {
    %c0_i32 = arith.constant 0 : i32
    %c0_i32_0 = arith.constant 0 : i32
    return %arg0, %c0_i32 : i32, i32
  }
}

module attributes {stable_mosaic.version = 14 : i64} {
  func.func @_gi0_body(%arg0: i32, %arg1: memref<2x2000x32xf32, #tpu.memory_space<vmem>>, %arg2: memref<2000x32xf32, #tpu.memory_space<vmem>>, %arg3: memref<2000x1xf32, #tpu.memory_space<vmem>>, %arg4: memref<1x32xf32, #tpu.memory_space<vmem>>, %arg5: memref<32x384xf32, #tpu.memory_space<vmem>>, %arg6: memref<1x384xf32, #tpu.memory_space<vmem>>, %arg7: memref<2000x384xf32, #tpu.memory_space<vmem>>) attributes {dimension_semantics = [#tpu.dimension_semantics<arbitrary>], iteration_bounds = array<i64: 5>, scalar_prefetch = 0 : i64, scratch_operands = 0 : i64, tpu.core_type = #tpu.core_type<tc>, window_params = [{transform_indices = @transform_0, window_bounds = array<i64: 2, 2000, 32>}, {transform_indices = @transform_1, window_bounds = array<i64: 2000, 32>}, {transform_indices = @transform_2, window_bounds = array<i64: 2000, 1>}, {pipeline_mode = #tpu.pipeline_mode<synchronous>, transform_indices = @transform_3, window_bounds = array<i64: 1, 32>}, {pipeline_mode = #tpu.pipeline_mode<synchronous>, transform_indices = @transform_4, window_bounds = array<i64: 32, 384>}, {pipeline_mode = #tpu.pipeline_mode<synchronous>, transform_indices = @transform_5, window_bounds = array<i64: 1, 384>}, {transform_indices = @transform_6, window_bounds = array<i64: 2000, 384>}]} {
    %get3A = arith.constant 0 : index
    %get3A_0 = arith.constant 0 : index
    %get3A_1 = arith.constant 0 : index
    %get3A_2 = vector.load %arg1[%get3A, %get3A_0, %get3A_1] : memref<2x2000x32xf32, #tpu.memory_space<vmem>>, vector<1x2000x32xf32>
    %get3A_3 = vector.shape_cast %get3A_2 : vector<1x2000x32xf32> to vector<2000x32xf32>
    %get3A_4 = arith.constant 1 : index
    %get3A_5 = arith.constant 0 : index
    %get3A_6 = arith.constant 0 : index
    %get3A_7 = vector.load %arg1[%get3A_4, %get3A_5, %get3A_6] : memref<2x2000x32xf32, #tpu.memory_space<vmem>>, vector<1x2000x32xf32>
    %get3A_8 = vector.shape_cast %get3A_7 : vector<1x2000x32xf32> to vector<2000x32xf32>
    %add3A = arith.addf %get3A_3, %get3A_8 : vector<2000x32xf32>
    %get3A_9 = arith.constant 0 : index
    %get3A_10 = arith.constant 0 : index
    %get3A_11 = vector.load %arg2[%get3A_9, %get3A_10] : memref<2000x32xf32, #tpu.memory_space<vmem>>, vector<2000x32xf32>
    %add3A_12 = arith.addf %add3A, %get3A_11 : vector<2000x32xf32>
    %get3A_13 = arith.constant 0 : index
    %get3A_14 = arith.constant 0 : index
    %get3A_15 = vector.load %arg3[%get3A_13, %get3A_14] : memref<2000x1xf32, #tpu.memory_space<vmem>>, vector<2000x1xf32>
    %mul3A = vector.broadcast %get3A_15 : vector<2000x1xf32> to vector<2000x32xf32>
    %mul3A_16 = arith.mulf %mul3A, %add3A_12 : vector<2000x32xf32>
    %get3A_17 = arith.constant 0 : index
    %get3A_18 = arith.constant 0 : index
    %get3A_19 = vector.load %arg4[%get3A_17, %get3A_18] : memref<1x32xf32, #tpu.memory_space<vmem>>, vector<1x32xf32>
    %add3A_20 = vector.broadcast %get3A_19 : vector<1x32xf32> to vector<2000x32xf32>
    %add3A_21 = arith.addf %mul3A_16, %add3A_20 : vector<2000x32xf32>
    %max3A = arith.constant 0.000000e+00 : f32
    %max3A_22 = vector.broadcast %max3A : f32 to vector<2000x32xf32>
    %max3A_23 = arith.maximumf %add3A_21, %max3A_22 : vector<2000x32xf32>
    %get3A_24 = arith.constant 0 : index
    %get3A_25 = arith.constant 0 : index
    %get3A_26 = vector.load %arg5[%get3A_24, %get3A_25] : memref<32x384xf32, #tpu.memory_space<vmem>>, vector<32x384xf32>
    %dot_general3A = arith.constant dense<0.000000e+00> : vector<2000x384xf32>
    %dot_general3A_27 = tpu.matmul %max3A_23, %get3A_26, %dot_general3A {dimension_numbers = #tpu.dot_dimension_numbers<[1], [0], [0], [1], [0, 0, 1, 1], [], []>, precision = #tpu.contract_precision<fp32>, transpose_lhs_hint = false} : vector<2000x32xf32>, vector<32x384xf32>, vector<2000x384xf32> -> vector<2000x384xf32>
    %get3A_28 = arith.constant 0 : index
    %get3A_29 = arith.constant 0 : index
    %get3A_30 = vector.load %arg6[%get3A_28, %get3A_29] : memref<1x384xf32, #tpu.memory_space<vmem>>, vector<1x384xf32>
    %add3A_31 = vector.broadcast %get3A_30 : vector<1x384xf32> to vector<2000x384xf32>
    %add3A_32 = arith.addf %dot_general3A_27, %add3A_31 : vector<2000x384xf32>
    %swap3A = arith.constant 0 : index
    %swap3A_33 = arith.constant 0 : index
    %swap3A_34 = vector.load %arg7[%swap3A, %swap3A_33] : memref<2000x384xf32, #tpu.memory_space<vmem>>, vector<2000x384xf32>
    tpu.vector_store %arg7[%swap3A, %swap3A_33], %add3A_32 {strides = array<i32>} : memref<2000x384xf32, #tpu.memory_space<vmem>>, vector<2000x384xf32>,
    return
  }
  func.func @transform_0(%arg0: i32) -> (i32, i32, i32) {
    %c0_i32 = arith.constant 0 : i32
    %c0_i32_0 = arith.constant 0 : i32
    %c0_i32_1 = arith.constant 0 : i32
    return %c0_i32, %arg0, %c0_i32_0 : i32, i32, i32
  }
  func.func @transform_1(%arg0: i32) -> (i32, i32) {
    %c0_i32 = arith.constant 0 : i32
    %c0_i32_0 = arith.constant 0 : i32
    return %arg0, %c0_i32 : i32, i32
  }
  func.func @transform_2(%arg0: i32) -> (i32, i32) {
    %c0_i32 = arith.constant 0 : i32
    %c0_i32_0 = arith.constant 0 : i32
    return %arg0, %c0_i32 : i32, i32
  }
  func.func @transform_3(%arg0: i32) -> (i32, i32) {
    %c0_i32 = arith.constant 0 : i32
    %c0_i32_0 = arith.constant 0 : i32
    %c0_i32_1 = arith.constant 0 : i32
    return %c0_i32, %c0_i32_0 : i32, i32
  }
  func.func @transform_4(%arg0: i32) -> (i32, i32) {
    %c0_i32 = arith.constant 0 : i32
    %c0_i32_0 = arith.constant 0 : i32
    %c0_i32_1 = arith.constant 0 : i32
    return %c0_i32, %c0_i32_0 : i32, i32
  }
  func.func @transform_5(%arg0: i32) -> (i32, i32) {
    %c0_i32 = arith.constant 0 : i32
    %c0_i32_0 = arith.constant 0 : i32
    %c0_i32_1 = arith.constant 0 : i32
    return %c0_i32, %c0_i32_0 : i32, i32
  }
  func.func @transform_6(%arg0: i32) -> (i32, i32) {
    %c0_i32 = arith.constant 0 : i32
    %c0_i32_0 = arith.constant 0 : i32
    return %arg0, %c0_i32 : i32, i32
  }
}

module attributes {stable_mosaic.version = 14 : i64} {
  func.func @_rec_body(%arg0: memref<10000x384xf32, #tpu.memory_space<vmem>>, %arg1: memref<64x192xf32, #tpu.memory_space<vmem>>, %arg2: memref<64x192xf32, #tpu.memory_space<vmem>>, %arg3: memref<1x192xf32, #tpu.memory_space<vmem>>, %arg4: memref<1x192xf32, #tpu.memory_space<vmem>>, %arg5: memref<10000x64xf32, #tpu.memory_space<vmem>>, %arg6: memref<10000x64xf32, #tpu.memory_space<vmem>>) attributes {dimension_semantics = [], scalar_prefetch = 0 : i64, scratch_operands = 0 : i64, tpu.core_type = #tpu.core_type<tc>} {
    %broadcast_in_dim3A = arith.constant 0.000000e+00 : f32
    %broadcast_in_dim3A_0 = vector.broadcast %broadcast_in_dim3A : f32 to vector<1x64xf32>
    %scan3A = arith.constant 0 : i32
    %scan3A_1 = arith.constant 10000 : i32
    %scan3A_2 = arith.addi %scan3A, %scan3A_1 : i32
    %scan3A_3 = arith.constant 1 : i32
    %scan3A_4:2 = scf.for %scan3A_6 = %scan3A to %scan3A_2 step %scan3A_3 iter_args(%scan3A_7 = %broadcast_in_dim3A_0, %scan3A_8 = %broadcast_in_dim3A_0) -> (vector<1x64xf32>, vector<1x64xf32>)  : i32 {
      %get3A = arith.constant 0 : index
      %get3A_9 = arith.constant 0 : index
      %get3A_10 = vector.load %arg1[%get3A, %get3A_9] : memref<64x192xf32, #tpu.memory_space<vmem>>, vector<64x192xf32>
      %dot_general3A = arith.constant dense<0.000000e+00> : vector<1x192xf32>
      %dot_general3A_11 = tpu.matmul %scan3A_7, %get3A_10, %dot_general3A {dimension_numbers = #tpu.dot_dimension_numbers<[1], [0], [0], [1], [0, 0, 1, 1], [], []>, precision = #tpu.contract_precision<fp32>, transpose_lhs_hint = false} : vector<1x64xf32>, vector<64x192xf32>, vector<1x192xf32> -> vector<1x192xf32>
      %get3A_12 = arith.constant 0 : index
      %get3A_13 = arith.constant 0 : index
      %get3A_14 = vector.load %arg3[%get3A_12, %get3A_13] : memref<1x192xf32, #tpu.memory_space<vmem>>, vector<1x192xf32>
      %add3A = arith.addf %dot_general3A_11, %get3A_14 : vector<1x192xf32>
      %get3A_15 = arith.constant 0 : index
      %get3A_16 = arith.constant 0 : index
      %get3A_17 = vector.load %arg2[%get3A_15, %get3A_16] : memref<64x192xf32, #tpu.memory_space<vmem>>, vector<64x192xf32>
      %dot_general3A_18 = arith.constant dense<0.000000e+00> : vector<1x192xf32>
      %dot_general3A_19 = tpu.matmul %scan3A_8, %get3A_17, %dot_general3A_18 {dimension_numbers = #tpu.dot_dimension_numbers<[1], [0], [0], [1], [0, 0, 1, 1], [], []>, precision = #tpu.contract_precision<fp32>, transpose_lhs_hint = false} : vector<1x64xf32>, vector<64x192xf32>, vector<1x192xf32> -> vector<1x192xf32>
      %get3A_20 = arith.constant 0 : index
      %get3A_21 = arith.constant 0 : index
      %get3A_22 = vector.load %arg4[%get3A_20, %get3A_21] : memref<1x192xf32, #tpu.memory_space<vmem>>, vector<1x192xf32>
      %add3A_23 = arith.addf %dot_general3A_19, %get3A_22 : vector<1x192xf32>
      %get3A_24 = arith.index_cast %scan3A_6 : i32 to index
      %get3A_25 = arith.constant 0 : index
      %get3A_26 = vector.load %arg0[%get3A_24, %get3A_25] : memref<10000x384xf32, #tpu.memory_space<vmem>>, vector<1x192xf32>
      %sub3A = arith.constant 9999 : i32
      %sub3A_27 = arith.subi %sub3A, %scan3A_6 : i32
      %get3A_28 = arith.index_cast %sub3A_27 : i32 to index
      %get3A_29 = arith.constant 192 : index
      %get3A_30 = vector.load %arg0[%get3A_28, %get3A_29] : memref<10000x384xf32, #tpu.memory_space<vmem>>, vector<1x192xf32>
      %slice3A = vector.extract_strided_slice %get3A_26 {offsets = [0, 0], sizes = [1, 64], strides = [1, 1]} : vector<1x192xf32> to vector<1x64xf32>
      %slice3A_31 = vector.extract_strided_slice %add3A {offsets = [0, 0], sizes = [1, 64], strides = [1, 1]} : vector<1x192xf32> to vector<1x64xf32>
      %add3A_32 = arith.addf %slice3A, %slice3A_31 : vector<1x64xf32>
      %logistic3A = arith.negf %add3A_32 : vector<1x64xf32>
      %logistic3A_33 = math.exp %logistic3A : vector<1x64xf32>
      %logistic3A_34 = arith.constant 1.000000e+00 : f32
      %logistic3A_35 = vector.broadcast %logistic3A_34 : f32 to vector<1x64xf32>
      %logistic3A_36 = arith.addf %logistic3A_35, %logistic3A_33 : vector<1x64xf32>
      %logistic3A_37 = arith.divf %logistic3A_35, %logistic3A_36 : vector<1x64xf32>
      %slice3A_38 = vector.extract_strided_slice %get3A_26 {offsets = [0, 64], sizes = [1, 64], strides = [1, 1]} : vector<1x192xf32> to vector<1x64xf32>
      %slice3A_39 = vector.extract_strided_slice %add3A {offsets = [0, 64], sizes = [1, 64], strides = [1, 1]} : vector<1x192xf32> to vector<1x64xf32>
      %add3A_40 = arith.addf %slice3A_38, %slice3A_39 : vector<1x64xf32>
      %logistic3A_41 = arith.negf %add3A_40 : vector<1x64xf32>
      %logistic3A_42 = math.exp %logistic3A_41 : vector<1x64xf32>
      %logistic3A_43 = arith.constant 1.000000e+00 : f32
      %logistic3A_44 = vector.broadcast %logistic3A_43 : f32 to vector<1x64xf32>
      %logistic3A_45 = arith.addf %logistic3A_44, %logistic3A_42 : vector<1x64xf32>
      %logistic3A_46 = arith.divf %logistic3A_44, %logistic3A_45 : vector<1x64xf32>
      %slice3A_47 = vector.extract_strided_slice %get3A_26 {offsets = [0, 128], sizes = [1, 64], strides = [1, 1]} : vector<1x192xf32> to vector<1x64xf32>
      %slice3A_48 = vector.extract_strided_slice %add3A {offsets = [0, 128], sizes = [1, 64], strides = [1, 1]} : vector<1x192xf32> to vector<1x64xf32>
      %mul3A = arith.mulf %logistic3A_37, %slice3A_48 : vector<1x64xf32>
      %add3A_49 = arith.addf %slice3A_47, %mul3A : vector<1x64xf32>
      %tanh3A = math.tanh %add3A_49 : vector<1x64xf32>
      %sub3A_50 = arith.constant 1.000000e+00 : f32
      %sub3A_51 = vector.broadcast %sub3A_50 : f32 to vector<1x64xf32>
      %sub3A_52 = arith.subf %sub3A_51, %logistic3A_46 : vector<1x64xf32>
      %mul3A_53 = arith.mulf %sub3A_52, %tanh3A : vector<1x64xf32>
      %mul3A_54 = arith.mulf %logistic3A_46, %scan3A_7 : vector<1x64xf32>
      %add3A_55 = arith.addf %mul3A_53, %mul3A_54 : vector<1x64xf32>
      %slice3A_56 = vector.extract_strided_slice %get3A_30 {offsets = [0, 0], sizes = [1, 64], strides = [1, 1]} : vector<1x192xf32> to vector<1x64xf32>
      %slice3A_57 = vector.extract_strided_slice %add3A_23 {offsets = [0, 0], sizes = [1, 64], strides = [1, 1]} : vector<1x192xf32> to vector<1x64xf32>
      %add3A_58 = arith.addf %slice3A_56, %slice3A_57 : vector<1x64xf32>
      %logistic3A_59 = arith.negf %add3A_58 : vector<1x64xf32>
      %logistic3A_60 = math.exp %logistic3A_59 : vector<1x64xf32>
      %logistic3A_61 = arith.constant 1.000000e+00 : f32
      %logistic3A_62 = vector.broadcast %logistic3A_61 : f32 to vector<1x64xf32>
      %logistic3A_63 = arith.addf %logistic3A_62, %logistic3A_60 : vector<1x64xf32>
      %logistic3A_64 = arith.divf %logistic3A_62, %logistic3A_63 : vector<1x64xf32>
      %slice3A_65 = vector.extract_strided_slice %get3A_30 {offsets = [0, 64], sizes = [1, 64], strides = [1, 1]} : vector<1x192xf32> to vector<1x64xf32>
      %slice3A_66 = vector.extract_strided_slice %add3A_23 {offsets = [0, 64], sizes = [1, 64], strides = [1, 1]} : vector<1x192xf32> to vector<1x64xf32>
      %add3A_67 = arith.addf %slice3A_65, %slice3A_66 : vector<1x64xf32>
      %logistic3A_68 = arith.negf %add3A_67 : vector<1x64xf32>
      %logistic3A_69 = math.exp %logistic3A_68 : vector<1x64xf32>
      %logistic3A_70 = arith.constant 1.000000e+00 : f32
      %logistic3A_71 = vector.broadcast %logistic3A_70 : f32 to vector<1x64xf32>
      %logistic3A_72 = arith.addf %logistic3A_71, %logistic3A_69 : vector<1x64xf32>
      %logistic3A_73 = arith.divf %logistic3A_71, %logistic3A_72 : vector<1x64xf32>
      %slice3A_74 = vector.extract_strided_slice %get3A_30 {offsets = [0, 128], sizes = [1, 64], strides = [1, 1]} : vector<1x192xf32> to vector<1x64xf32>
      %slice3A_75 = vector.extract_strided_slice %add3A_23 {offsets = [0, 128], sizes = [1, 64], strides = [1, 1]} : vector<1x192xf32> to vector<1x64xf32>
      %mul3A_76 = arith.mulf %logistic3A_64, %slice3A_75 : vector<1x64xf32>
      %add3A_77 = arith.addf %slice3A_74, %mul3A_76 : vector<1x64xf32>
      %tanh3A_78 = math.tanh %add3A_77 : vector<1x64xf32>
      %sub3A_79 = arith.constant 1.000000e+00 : f32
      %sub3A_80 = vector.broadcast %sub3A_79 : f32 to vector<1x64xf32>
      %sub3A_81 = arith.subf %sub3A_80, %logistic3A_73 : vector<1x64xf32>
      %mul3A_82 = arith.mulf %sub3A_81, %tanh3A_78 : vector<1x64xf32>
      %mul3A_83 = arith.mulf %logistic3A_73, %scan3A_8 : vector<1x64xf32>
      %add3A_84 = arith.addf %mul3A_82, %mul3A_83 : vector<1x64xf32>
      %swap3A = arith.index_cast %scan3A_6 : i32 to index
      %swap3A_85 = arith.constant 0 : index
      %swap3A_86 = vector.load %arg5[%swap3A, %swap3A_85] : memref<10000x64xf32, #tpu.memory_space<vmem>>, vector<1x64xf32>
      tpu.vector_store %arg5[%swap3A, %swap3A_85], %add3A_55 {strides = array<i32>} : memref<10000x64xf32, #tpu.memory_space<vmem>>, vector<1x64xf32>,
      %sub3A_87 = arith.constant 9999 : i32
      %sub3A_88 = arith.subi %sub3A_87, %scan3A_6 : i32
      %swap3A_89 = arith.index_cast %sub3A_88 : i32 to index
      %swap3A_90 = arith.constant 0 : index
      %swap3A_91 = vector.load %arg6[%swap3A_89, %swap3A_90] : memref<10000x64xf32, #tpu.memory_space<vmem>>, vector<1x64xf32>
      tpu.vector_store %arg6[%swap3A_89, %swap3A_90], %add3A_84 {strides = array<i32>} : memref<10000x64xf32, #tpu.memory_space<vmem>>, vector<1x64xf32>,
      scf.yield %add3A_55, %add3A_84 : vector<1x64xf32>, vector<1x64xf32>
    }
    %scan3A_5 = arith.constant 10000 : i32
    return
  }
}

module attributes {stable_mosaic.version = 14 : i64} {
  func.func @_gi1_body(%arg0: i32, %arg1: memref<2000x64xf32, #tpu.memory_space<vmem>>, %arg2: memref<2000x64xf32, #tpu.memory_space<vmem>>, %arg3: memref<64x384xf32, #tpu.memory_space<vmem>>, %arg4: memref<64x384xf32, #tpu.memory_space<vmem>>, %arg5: memref<1x384xf32, #tpu.memory_space<vmem>>, %arg6: memref<2000x384xf32, #tpu.memory_space<vmem>>) attributes {dimension_semantics = [#tpu.dimension_semantics<arbitrary>], iteration_bounds = array<i64: 5>, scalar_prefetch = 0 : i64, scratch_operands = 0 : i64, tpu.core_type = #tpu.core_type<tc>, window_params = [{transform_indices = @transform_0, window_bounds = array<i64: 2000, 64>}, {transform_indices = @transform_1, window_bounds = array<i64: 2000, 64>}, {pipeline_mode = #tpu.pipeline_mode<synchronous>, transform_indices = @transform_2, window_bounds = array<i64: 64, 384>}, {pipeline_mode = #tpu.pipeline_mode<synchronous>, transform_indices = @transform_3, window_bounds = array<i64: 64, 384>}, {pipeline_mode = #tpu.pipeline_mode<synchronous>, transform_indices = @transform_4, window_bounds = array<i64: 1, 384>}, {transform_indices = @transform_5, window_bounds = array<i64: 2000, 384>}]} {
    %get3A = arith.constant 0 : index
    %get3A_0 = arith.constant 0 : index
    %get3A_1 = vector.load %arg1[%get3A, %get3A_0] : memref<2000x64xf32, #tpu.memory_space<vmem>>, vector<2000x64xf32>
    %get3A_2 = arith.constant 0 : index
    %get3A_3 = arith.constant 0 : index
    %get3A_4 = vector.load %arg3[%get3A_2, %get3A_3] : memref<64x384xf32, #tpu.memory_space<vmem>>, vector<64x384xf32>
    %dot_general3A = arith.constant dense<0.000000e+00> : vector<2000x384xf32>
    %dot_general3A_5 = tpu.matmul %get3A_1, %get3A_4, %dot_general3A {dimension_numbers = #tpu.dot_dimension_numbers<[1], [0], [0], [1], [0, 0, 1, 1], [], []>, precision = #tpu.contract_precision<fp32>, transpose_lhs_hint = false} : vector<2000x64xf32>, vector<64x384xf32>, vector<2000x384xf32> -> vector<2000x384xf32>
    %get3A_6 = arith.constant 0 : index
    %get3A_7 = arith.constant 0 : index
    %get3A_8 = vector.load %arg2[%get3A_6, %get3A_7] : memref<2000x64xf32, #tpu.memory_space<vmem>>, vector<2000x64xf32>
    %get3A_9 = arith.constant 0 : index
    %get3A_10 = arith.constant 0 : index
    %get3A_11 = vector.load %arg4[%get3A_9, %get3A_10] : memref<64x384xf32, #tpu.memory_space<vmem>>, vector<64x384xf32>
    %dot_general3A_12 = arith.constant dense<0.000000e+00> : vector<2000x384xf32>
    %dot_general3A_13 = tpu.matmul %get3A_8, %get3A_11, %dot_general3A_12 {dimension_numbers = #tpu.dot_dimension_numbers<[1], [0], [0], [1], [0, 0, 1, 1], [], []>, precision = #tpu.contract_precision<fp32>, transpose_lhs_hint = false} : vector<2000x64xf32>, vector<64x384xf32>, vector<2000x384xf32> -> vector<2000x384xf32>
    %add3A = arith.addf %dot_general3A_5, %dot_general3A_13 : vector<2000x384xf32>
    %get3A_14 = arith.constant 0 : index
    %get3A_15 = arith.constant 0 : index
    %get3A_16 = vector.load %arg5[%get3A_14, %get3A_15] : memref<1x384xf32, #tpu.memory_space<vmem>>, vector<1x384xf32>
    %add3A_17 = vector.broadcast %get3A_16 : vector<1x384xf32> to vector<2000x384xf32>
    %add3A_18 = arith.addf %add3A, %add3A_17 : vector<2000x384xf32>
    %swap3A = arith.constant 0 : index
    %swap3A_19 = arith.constant 0 : index
    %swap3A_20 = vector.load %arg6[%swap3A, %swap3A_19] : memref<2000x384xf32, #tpu.memory_space<vmem>>, vector<2000x384xf32>
    tpu.vector_store %arg6[%swap3A, %swap3A_19], %add3A_18 {strides = array<i32>} : memref<2000x384xf32, #tpu.memory_space<vmem>>, vector<2000x384xf32>,
    return
  }
  func.func @transform_0(%arg0: i32) -> (i32, i32) {
    %c0_i32 = arith.constant 0 : i32
    %c0_i32_0 = arith.constant 0 : i32
    return %arg0, %c0_i32 : i32, i32
  }
  func.func @transform_1(%arg0: i32) -> (i32, i32) {
    %c0_i32 = arith.constant 0 : i32
    %c0_i32_0 = arith.constant 0 : i32
    return %arg0, %c0_i32 : i32, i32
  }
  func.func @transform_2(%arg0: i32) -> (i32, i32) {
    %c0_i32 = arith.constant 0 : i32
    %c0_i32_0 = arith.constant 0 : i32
    %c0_i32_1 = arith.constant 0 : i32
    return %c0_i32, %c0_i32_0 : i32, i32
  }
  func.func @transform_3(%arg0: i32) -> (i32, i32) {
    %c0_i32 = arith.constant 0 : i32
    %c0_i32_0 = arith.constant 0 : i32
    %c0_i32_1 = arith.constant 0 : i32
    return %c0_i32, %c0_i32_0 : i32, i32
  }
  func.func @transform_4(%arg0: i32) -> (i32, i32) {
    %c0_i32 = arith.constant 0 : i32
    %c0_i32_0 = arith.constant 0 : i32
    %c0_i32_1 = arith.constant 0 : i32
    return %c0_i32, %c0_i32_0 : i32, i32
  }
  func.func @transform_5(%arg0: i32) -> (i32, i32) {
    %c0_i32 = arith.constant 0 : i32
    %c0_i32_0 = arith.constant 0 : i32
    return %arg0, %c0_i32 : i32, i32
  }
}

module attributes {stable_mosaic.version = 14 : i64} {
  func.func @_out_body(%arg0: i32, %arg1: memref<2000x64xf32, #tpu.memory_space<vmem>>, %arg2: memref<2000x64xf32, #tpu.memory_space<vmem>>, %arg3: memref<64x40xf32, #tpu.memory_space<vmem>>, %arg4: memref<64x40xf32, #tpu.memory_space<vmem>>, %arg5: memref<1x40xf32, #tpu.memory_space<vmem>>, %arg6: memref<2000x40xf32, #tpu.memory_space<vmem>>) attributes {dimension_semantics = [#tpu.dimension_semantics<arbitrary>], iteration_bounds = array<i64: 5>, scalar_prefetch = 0 : i64, scratch_operands = 0 : i64, tpu.core_type = #tpu.core_type<tc>, window_params = [{transform_indices = @transform_0, window_bounds = array<i64: 2000, 64>}, {transform_indices = @transform_1, window_bounds = array<i64: 2000, 64>}, {pipeline_mode = #tpu.pipeline_mode<synchronous>, transform_indices = @transform_2, window_bounds = array<i64: 64, 40>}, {pipeline_mode = #tpu.pipeline_mode<synchronous>, transform_indices = @transform_3, window_bounds = array<i64: 64, 40>}, {pipeline_mode = #tpu.pipeline_mode<synchronous>, transform_indices = @transform_4, window_bounds = array<i64: 1, 40>}, {transform_indices = @transform_5, window_bounds = array<i64: 2000, 40>}]} {
    %get3A = arith.constant 0 : index
    %get3A_0 = arith.constant 0 : index
    %get3A_1 = vector.load %arg1[%get3A, %get3A_0] : memref<2000x64xf32, #tpu.memory_space<vmem>>, vector<2000x64xf32>
    %get3A_2 = arith.constant 0 : index
    %get3A_3 = arith.constant 0 : index
    %get3A_4 = vector.load %arg3[%get3A_2, %get3A_3] : memref<64x40xf32, #tpu.memory_space<vmem>>, vector<64x40xf32>
    %dot_general3A = arith.constant dense<0.000000e+00> : vector<2000x40xf32>
    %dot_general3A_5 = tpu.matmul %get3A_1, %get3A_4, %dot_general3A {dimension_numbers = #tpu.dot_dimension_numbers<[1], [0], [0], [1], [0, 0, 1, 1], [], []>, precision = #tpu.contract_precision<fp32>, transpose_lhs_hint = false} : vector<2000x64xf32>, vector<64x40xf32>, vector<2000x40xf32> -> vector<2000x40xf32>
    %get3A_6 = arith.constant 0 : index
    %get3A_7 = arith.constant 0 : index
    %get3A_8 = vector.load %arg2[%get3A_6, %get3A_7] : memref<2000x64xf32, #tpu.memory_space<vmem>>, vector<2000x64xf32>
    %get3A_9 = arith.constant 0 : index
    %get3A_10 = arith.constant 0 : index
    %get3A_11 = vector.load %arg4[%get3A_9, %get3A_10] : memref<64x40xf32, #tpu.memory_space<vmem>>, vector<64x40xf32>
    %dot_general3A_12 = arith.constant dense<0.000000e+00> : vector<2000x40xf32>
    %dot_general3A_13 = tpu.matmul %get3A_8, %get3A_11, %dot_general3A_12 {dimension_numbers = #tpu.dot_dimension_numbers<[1], [0], [0], [1], [0, 0, 1, 1], [], []>, precision = #tpu.contract_precision<fp32>, transpose_lhs_hint = false} : vector<2000x64xf32>, vector<64x40xf32>, vector<2000x40xf32> -> vector<2000x40xf32>
    %add3A = arith.addf %dot_general3A_5, %dot_general3A_13 : vector<2000x40xf32>
    %get3A_14 = arith.constant 0 : index
    %get3A_15 = arith.constant 0 : index
    %get3A_16 = vector.load %arg5[%get3A_14, %get3A_15] : memref<1x40xf32, #tpu.memory_space<vmem>>, vector<1x40xf32>
    %add3A_17 = vector.broadcast %get3A_16 : vector<1x40xf32> to vector<2000x40xf32>
    %add3A_18 = arith.addf %add3A, %add3A_17 : vector<2000x40xf32>
    %swap3A = arith.constant 0 : index
    %swap3A_19 = arith.constant 0 : index
    %swap3A_20 = vector.load %arg6[%swap3A, %swap3A_19] : memref<2000x40xf32, #tpu.memory_space<vmem>>, vector<2000x40xf32>
    tpu.vector_store %arg6[%swap3A, %swap3A_19], %add3A_18 {strides = array<i32>} : memref<2000x40xf32, #tpu.memory_space<vmem>>, vector<2000x40xf32>,
    return
  }
  func.func @transform_0(%arg0: i32) -> (i32, i32) {
    %c0_i32 = arith.constant 0 : i32
    %c0_i32_0 = arith.constant 0 : i32
    return %arg0, %c0_i32 : i32, i32
  }
  func.func @transform_1(%arg0: i32) -> (i32, i32) {
    %c0_i32 = arith.constant 0 : i32
    %c0_i32_0 = arith.constant 0 : i32
    return %arg0, %c0_i32 : i32, i32
  }
  func.func @transform_2(%arg0: i32) -> (i32, i32) {
    %c0_i32 = arith.constant 0 : i32
    %c0_i32_0 = arith.constant 0 : i32
    %c0_i32_1 = arith.constant 0 : i32
    return %c0_i32, %c0_i32_0 : i32, i32
  }
  func.func @transform_3(%arg0: i32) -> (i32, i32) {
    %c0_i32 = arith.constant 0 : i32
    %c0_i32_0 = arith.constant 0 : i32
    %c0_i32_1 = arith.constant 0 : i32
    return %c0_i32, %c0_i32_0 : i32, i32
  }
  func.func @transform_4(%arg0: i32) -> (i32, i32) {
    %c0_i32 = arith.constant 0 : i32
    %c0_i32_0 = arith.constant 0 : i32
    %c0_i32_1 = arith.constant 0 : i32
    return %c0_i32, %c0_i32_0 : i32, i32
  }
  func.func @transform_5(%arg0: i32) -> (i32, i32) {
    %c0_i32 = arith.constant 0 : i32
    %c0_i32_0 = arith.constant 0 : i32
    return %arg0, %c0_i32 : i32, i32
  }
}

</mosaic_0001>

<sc_bundles>
// kernel: kernel.12.cloned.1.call-start
scs
__scs_entry_jumppad:
0x0: {  	(pc) =	sbr.rel $0x88, $3  }
0x1: {  	(tag) =	ssettag $0x0;
	lr =	simm.s32 $0x1  }
0x2: {  	[smem:$0x3F89] =	sst lr;
	_ =	strace $0xD0000000  }
0x3: {  	_ = 	snop  }
0x4: {  	_ = 	snop  }
0x5: {  	_ = 	snop  }
0x6: {  	_ = 	snop  }
0x7: {  	_ = 	snop  }
__scs_overlays_trampoline_lowered:
0x8: {  	[smem:$0x3F98] =	sst s0  }
0x9: {  	[smem:$0x3F99] =	sst s1  }
0xa: {  	[smem:$0x3F9A] =	sst s2  }
0xb: {  	[smem:$0x3F9B] =	sst s3  }
0xc: {  	[smem:$0x3F9C] =	sst s4  }
0xd: {  	[smem:$0x3F9D] =	sst s5  }
0xe: {  	[smem:$0x3F9E] =	sst s6  }
0xf: {  	[smem:$0x3F9F] =	sst s7  }
0x10: {  	[smem:$0x3FA0] =	sst s8  }
0x11: {  	[smem:$0x3FA1] =	sst s9;
	s0 =	simm.s32 @!p0 $0x0  }
0x12: {  	s1 =	sld [smem:$0x3F87];
	s0 =	simm.s32 @p0 $0x1  }
0x13: {  	[smem:$0x3FA2] =	sst s0;
	s0 =	simm.s32 @!p1 $0x0  }
0x14: {  	s2 =	sld [smem:$0x3F86];
	s0 =	simm.s32 @p1 $0x1  }
0x15: {  	[smem:$0x3FA3] =	sst s0;
	s0 =	simm.s32 @!p2 $0x0  }
0x16: {  	s3 =	sld [smem:$0x3FDB];
	s0 =	simm.s32 @p2 $0x1  }
0x17: {  	s4 =	simm.s32 $0x1BF5;
	[smem:$0x3FA5] =	sst s0  }
0x18: {  	s0 =	sld [smem:$0x3F88];
	_ =	swait.ge [sflag:s4], $0x0  }
0x19: {  	s7 =	sld [smem:$0x3F89]  }
0x1a: {  	s8 =	sadd.s32 $0xFFFFE003, lr  }
0x1b: {  	s9 =	sadd.s32 $0xFFFFFEF7, lr;
	s5 =	simm.s32 $0xFFFFFFFF;
	p2 =	slt.u32 s8, $0xFFFFF086  }
0x1c: {  	p1 =	slt.u32 s9, $0xF7A;
	s5 =	simm.s32 @!p2 $0x0  }
0x1d: {  	s5 =	simm.s32 @p1 $0x1;
	p0 =	seq.s32 s7, s2  }
0x1e: {  	s7 =	smul.u32 @!p0 $0xF7A, s2;
	p2 =	seq.s32 @!p0 s5, $0x0  }
0x1f: {  	s9 =	smul.u32 $0xF7A, s1;
	s8 =	simm.s32 @!p0 $0x1BF5;
	p2 =	por !p2, p0  }
0x20: {  	[sflag:s8] =	ssyncset.s32 @!p0 $0xFFFFF086;
	s6 =	sadd.s32 @!p0 s3, s7;
	s7 =	simm.s32 @!p0 $0x108  }
0x21: {  	s3 =	sadd.s32 s3, s9;
	s6 =	sadd.s32 @!p0 $0x88, s6;
	s7 =	simm.s32 @p2 $0x1082  }
0x22: {  	[simem:s7], [sflag:s8] =	dma.local @!p0 [hbm:s6], $0xF7A  }
0x23: {  	s9 =	sor.u32 $0xD0000000, s2;
	s6 =	simm.s32 $0x108;
	_ =	swait.ge @!p0 [sflag:s8], $0x0  }
0x24: {  	s3 =	sadd.s32 $0x88, s3;
	s6 =	simm.s32 @!p1 $0x1082;
	[sflag:s4] =	ssyncset.s32 $0xFFFFF086  }
0x25: {  	[simem:s6], [sflag:s4] =	dma.local [hbm:s3], $0xF7A  }
0x26: {  	[smem:$0x3F89] =	sst s1;
	(tag) =	ssettag s2;
	_ =	strace s9  }
0x27: {  	s1 =	sld [smem:$0x3F99]  }
0x28: {  	s2 =	sld [smem:$0x3F9A]  }
0x29: {  	s4 =	sld [smem:$0x3F9C]  }
0x2a: {  	p0 =	seq.s32 s5, $0x0;
	s5 =	sld [smem:$0x3F9D]  }
0x2b: {  	s6 =	sld [smem:$0x3F9E]  }
0x2c: {  	s7 =	sld [smem:$0x3F9F]  }
0x2d: {  	s3 =	simm.s32 $0x108;
	s8 =	sld [smem:$0x3FA0]  }
0x2e: {  	s3 =	simm.s32 @!p0 $0x1082;
	s9 =	sld [smem:$0x3FA1]  }
0x2f: {  	lr =	sadd.s32 s0, s3;
	s0 =	sld [smem:$0x3F98]  }
0x30: {  	s3 =	sld [smem:$0x3F9B]  }
0x31: {  	[smem:$0x3FA4] =	sst s10  }
0x32: {  	s10 =	sld [smem:$0x3FA2];
	_ =	sdelay $0x3  }
0x33: {  	p0 =	seq.s32 s10, $0x1;
	s10 =	sld [smem:$0x3FA4];
	_ =	sdelay $0x3  }
0x34: {  	[smem:$0x3FA4] =	sst s10  }
0x35: {  	s10 =	sld [smem:$0x3FA3];
	_ =	sdelay $0x3  }
0x36: {  	p1 =	seq.s32 s10, $0x1;
	s10 =	sld [smem:$0x3FA4];
	_ =	sdelay $0x3  }
0x37: {  	[smem:$0x3FA4] =	sst s10  }
0x38: {  	s10 =	sld [smem:$0x3FA5]  }
0x39: {  	_ = 	snop;
	(pc) =	sbr.ind lr, $3  }
0x3a: {  	_ = 	snop  }
0x3b: {  	_ = 	snop  }
0x3c: {  	p2 =	seq.s32 s10, $0x1;
	s10 =	sld [smem:$0x3FA4]  }
0x3d: {  	_ =	shalt  }
0x3e: {  	_ =	shalt  }
0x3f: {  	_ =	shalt  }
0x40: {  	_ =	shalt  }
0x41: {  	_ =	shalt  }
0x42: {  	_ =	shalt  }
0x43: {  	_ =	shalt  }
0x44: {  	_ =	shalt  }
0x45: {  	_ =	shalt  }
0x46: {  	_ =	shalt  }
0x47: {  	_ =	shalt  }
0x48: {  	_ =	shalt  }
0x49: {  	_ =	shalt  }
0x4a: {  	_ =	shalt  }
0x4b: {  	_ =	shalt  }
0x4c: {  	_ =	shalt  }
0x4d: {  	_ =	shalt  }
0x4e: {  	_ =	shalt  }
0x4f: {  	_ =	shalt  }
0x50: {  	_ =	shalt  }
0x51: {  	_ =	shalt  }
0x52: {  	_ =	shalt  }
0x53: {  	_ =	shalt  }
0x54: {  	_ =	shalt  }
0x55: {  	_ =	shalt  }
0x56: {  	_ =	shalt  }
0x57: {  	_ =	shalt  }
0x58: {  	_ =	shalt  }
0x59: {  	_ =	shalt  }
0x5a: {  	_ =	shalt  }
0x5b: {  	_ =	shalt  }
0x5c: {  	_ =	shalt  }
0x5d: {  	_ =	shalt  }
0x5e: {  	_ =	shalt  }
0x5f: {  	_ =	shalt  }
0x60: {  	_ =	shalt  }
0x61: {  	_ =	shalt  }
0x62: {  	_ =	shalt  }
0x63: {  	_ =	shalt  }
0x64: {  	_ =	shalt  }
0x65: {  	_ =	shalt  }
0x66: {  	_ =	shalt  }
0x67: {  	_ =	shalt  }
0x68: {  	_ =	shalt  }
0x69: {  	_ =	shalt  }
0x6a: {  	_ =	shalt  }
0x6b: {  	_ =	shalt  }
0x6c: {  	_ =	shalt  }
0x6d: {  	_ =	shalt  }
0x6e: {  	_ =	shalt  }
0x6f: {  	_ =	shalt  }
0x70: {  	_ =	shalt  }
0x71: {  	_ =	shalt  }
0x72: {  	_ =	shalt  }
0x73: {  	_ =	shalt  }
0x74: {  	_ =	shalt  }
0x75: {  	_ =	shalt  }
0x76: {  	_ =	shalt  }
0x77: {  	_ =	shalt  }
0x78: {  	_ =	shalt  }
0x79: {  	_ =	shalt  }
0x7a: {  	_ =	shalt  }
0x7b: {  	_ =	shalt  }
0x7c: {  	_ =	shalt  }
0x7d: {  	_ =	shalt  }
0x7e: {  	_ =	shalt  }
0x7f: {  	_ =	shalt  }
0x80: {  	_ =	shalt  }
0x81: {  	_ =	shalt  }
0x82: {  	_ =	shalt  }
0x83: {  	_ =	shalt  }
0x84: {  	_ =	shalt  }
0x85: {  	_ =	shalt  }
0x86: {  	_ =	shalt  }
0x87: {  	_ =	shalt  }
.Lfunc_end0:
.L_simem_size_0:
called_computation_lowered:
.L_overlay_start_0:
0x88: {  	s2 =	sld [smem:$0x3FD9]  }
0x89: {  	s3 =	sld [smem:$0x3FFE];
	_ =	sdelay $0x1  }
0x8a: {  	s1 =	srdreg.scid  }
0x8b: {  	s0 =	sand.u32 $0x1, s1  }
0x8c: {  	s17 =	sshll.u32 s0, $0xA;
	s2 =	sadd.s32 s3, s2  }
0x8d: {  	s2 =	sadd.s32 s2, s17  }
0x8e: {  	[smem:$0x3FB0] =	sst s2  }
0x8f: {  	_ = 	snop  }
0x90: {  	s2 =	sld [smem:$0x3FD0];
	(tm) =	ssettm $0x1  }
0x91: {  	s18 =	sld [smem:$0x3FFB];
	_ =	sdelay $0x3  }
0x92: {  	_ =	strace s18  }
0x93: {  	s3 =	sld [smem:$0x3FFC];
	_ =	sdelay $0x3  }
0x94: {  	_ =	strace s3  }
0x95: {  	s3 =	sld [smem:$0x3FFD];
	_ =	sdelay $0x3  }
0x96: {  	_ =	strace s3  }
0x97: {  	_ =	strace $0x8FFFFFFF  }
0x98: {  	s19 =	sld [smem:$0x3FDB];
	_ =	sdelay $0x1  }
0x99: {  	s4 =	simm.s32 $_scs_section_size  }
0x9a: {  	s5 =	simm.s32 $_size__tile_overlayer_lowered;
	s6 =	simm.s32 $_tile_overlayer_lowered  }
0x9b: {  	s22 =	simm.s32 $0x1BFF;
	s21 =	sshll.u32 s6, $0x1;
	s3 =	sadd.s32 s4, s19  }
0x9c: {  	s7 =	simm.s32 $0x0;
	s20 =	sshll.u32 s5, $0x1;
	s5 =	sadd.s32 s21, s3  }
0x9d: {  	[timem:s7], [sflag:s22] =	dma.local [hbm:s5], s20  }
0x9e: {  	_ =	swait.ge [sflag:s22], s20  }
0x9f: {  	s4 =	ssub.s32 $0x0, s20;
	[sflag:s22] =	ssyncset.done $0x0  }
0xa0: {  	[sflag:s22] =	ssyncadd.s32 s4;
	_ =	sdelay $0x1  }
0xa1: {  	s23 =	simm.s32 $0x1B8B  }
0xa2: {  	_ =	swait.ge [sflag:s23], $0x1  }
0xa3: {  	[sflag:s23] =	ssyncset.done $0x0  }
0xa4: {  	s25 =	simm.s32 $0x1B8E;
	s24 =	sld [smem:$0x3FFE];
	[sflag:s23] =	ssyncadd.s32 $0xFFFFFFFF  }
0xa5: {  	s26 =	simm.s32 $execute0_lowered;
	[smem:$0x3FD2] =	sst s25  }
0xa6: {  	s5 =	sshll.u32 s26, $0x1;
	_ =	strace $0x80000046;
	[dreg:$0x1] =	wrdreg $0xFFFFFFFF  }
0xa7: {  	s28 =	simm.s32 $_size_execute0_lowered;
	s3 =	sadd.s32 s3, s5;
	[dreg:$0x0] =	wrdreg $0x0  }
0xa8: {  	s5 =	sshll.u32 s28, $0x1;
	[dreg:$0x2] =	wrdreg s3  }
0xa9: {  	[dreg:$0x3] =	wrdreg s5  }
0xaa: {  	[dreg:$0x4] =	wrdreg $0xC0  }
0xab: {  	_ =	task [dreg:s7], $0x5FFFF  }
0xac: {  	[dreg:$0x1] =	wrdreg $0xFFFFFFFF  }
0xad: {  	[dreg:$0x0] =	wrdreg $0x60  }
0xae: {  	[dreg:$0x2] =	wrdreg s24  }
0xaf: {  	[dreg:$0x3] =	wrdreg s2  }
0xb0: {  	[dreg:$0x4] =	wrdreg $0x9000  }
0xb1: {  	[dreg:$0x5] =	wrdreg $0x9  }
0xb2: {  	_ =	task.clear_ibuf [dreg:s7], $0x6FFFF;
	_ =	strace $0x90000046  }
0xb3: {  	s29 =	simm.s32 $0x9;
	_ =	strace $0x80000048  }
0xb4: {  	_ =	swait.ge [sflag:s29], $0x1  }
0xb5: {  	[sflag:s29] =	ssyncadd.s32 $0xFFFFFFFF  }
0xb6: {  	_ =	strace $0x90000048  }
0xb7: {  	_ =	sfence  }
0xb8: {  	s30 =	sld [smem:$0x0];
	_ =	sdelay $0x2  }
0xb9: {  	s31 =	sshll.u32 s1, $0xD;
	s1 =	sshrl.u32 s1, $0x2  }
0xba: {  	s3 =	sand.u32 $0x4000, s31;
	s1 =	sadd.s32 s1, s30  }
0xbb: {  	s0 =	sor.u32 s3, s0;
	s1 =	sshll.u32 s1, $0x11  }
0xbc: {  	s0 =	sor.u32 s1, s0  }
0xbd: {  	s0 =	sadd.s32 $0x8F2B, s0  }
0xbe: {  	[sflag:s0] =	ssyncadd.remote.s32 $0x1  }
0xbf: {  	_ =	sfence.sel $0xFFFF  }
0xc0: {  	[dreg:$0x0] =	wrdreg $0xFFFFFFFF;
	(pc) =	sbr.abs _section_cstart, $3  }
0xc1: {  	[dreg:$0x1] =	wrdreg $0xFFFFFFFF  }
0xc2: {  	_ =	task.clear_ibuf [dreg:s7], $0x2FFFF;
	_ =	strace $0x9FFFFFFF  }
0xc3: {  	(tm) =	ssettm $0x7FFFFFFF  }
tec
execute0_lowered:
.L_overlay_start_1:
0x0: {  	(tag) =	ssettag $0x1  }
0x1: {  	s5 =	rddreg [dreg:$0x0]  }
0x2: {  	s8 =	rddreg [dreg:$0x1]  }
0x3: {  	s2 =	rddreg [dreg:$0x2]  }
0x4: {  	s0 =	rddreg [dreg:$0x3]  }
0x5: {  	s3 =	simm.s32 $0x0;
	s4 =	srdreg.scid;
	s1 =	stileid.u32  }
0x6: {  	s16 =	simm.s32 $0x1;
	s17 =	simm.s32 $0x5800;
	s18 =	simm.s32 $0x5810  }
0x7: {  	s19 =	simm.s32 $0x10;
	s20 =	simm.s32 $0x5820;
	s21 =	simm.s32 $0x0  }
0x8: {  	[smem:$0x7FF] =	sst s3;
	s6 =	sand.u32 $0x1, s4;
	s9 =	smul.u32 $0x2780, s1  }
0x9: {  	s29 =	sshll.u32 s1, $0x1;
	s4 =	sadd.s32 $0x18200, s5;
	s14 =	smul.u32 $0x4E20, s1  }
0xa: {  	s11 =	sadd.s32 $0xE400, s5;
	s10 =	sadd.s32 $0x4600, s5;
	s12 =	smul.u32 $0x27800, s6  }
0xb: {  	s7 =	sor.u32 s6, s29;
	s30 =	ssub.s32 $0x2, s6;
	s15 =	smul.u32 $0x2710, s6  }
0xc: {  	_ =	strace $0x80000047;
	s7 =	smul.u32 $0x2710, s7;
	s13 =	sshrl.u32 s30, $0x1  }
0xd: {  	s5 =	sadd.s32 s9, s2;
	s13 =	ssub.s32 s30, s13;
	s9 =	sadd.s32 s9, s12  }
0xe: {  	s31 =	sadd.s32 s15, s14;
	s14 =	simm.s32 $0x80;
	s15 =	simm.s32 $0x100  }
0xf: {  	s7 =	sshrl.u32 s7, $0x3;
	s9 =	sshrl.u32 s9, $0x3;
	s12 =	sshrl.u32 s31, $0x3  }
0x10: {  	s7 =	sadd.s32 $0x4E0, s7;
	s8 =	sadd.s32 s8, s9;
	s9 =	smax.u32 s13, $0x1  }
0x11: {  	s13 =	simm.s32 $0x2;
	s6 =	sadd.s32 s11, s7;
	s7 =	sadd.s32 s10, s7  }
0x12: {  	v0 =	vimm.f32 $0.0e+00;
	s10 =	sadd.s32 s12, s10;
	s11 =	sadd.s32 s12, s11;
	s12 =	simm.s32 $0x3080  }
.LBB2_1:
0x13: {  	s22 =	simm.s32 $0x40;
	s23 =	simm.s32 $0x0  }
.LBB2_2:
0x14: {  	p0 =	sne.s32 s22, $0x9DC0;
	[tilespmem:s23+$0x3080] =	vst v0;
	s23 =	smov.u32 s22;
	s22 =	sadd.s32 $0x40, s22  }
.Ltmp0:
0x15: {  	(pc) =	sbr.rel @p0 .LBB2_2-.Ltmp0, $2  }
0x16: {  	_ =	sdelay $0x2  }
0x17: {  	s23 =	sshra.s32 s23, $0x2  }
0x18: {  	[tilespmem:s23+$0x3080] =	vst v0  }
0x19: {  	[spmem:s5] =	stream.linear.scatter [tilespmem:s12], [sflag:$0x2], $0x2780, $0x38;
	[tilespmem:$0x5920] =	vst v63  }
0x1a: {  	_ =	swait.ge [sflag:s13], $0x2780  }
0x1b: {  	[sflag:s13] =	ssyncset.done $0x0  }
0x1c: {  	[sflag:s13] =	ssyncadd.s32 $0xFFFFD880  }
0x1d: {  	s22 =	sadd.s32 $0x0, s11;
	[bflag:$0x0] =	sbarrier.arrive $0xFFFF  }
0x1e: {  	[tilespmem:s3], [sflag:$0x2] =	stream.linear.gather [hbm4b:s22+s3], $0x80, $0x38;
	[tilespmem:$0x5920] =	vst v63  }
0x1f: {  	_ =	swait.ge [sflag:s13], $0x80  }
0x20: {  	[sflag:s13] =	ssyncset.done $0x0  }
0x21: {  	s31 =	sadd.s32 $0x0, s10;
	[sflag:s13] =	ssyncadd.s32 $0xFFFFFF80  }
0x22: {  	[tilespmem:s14], [sflag:$0x2] =	stream.linear.gather [hbm4b:s31+s3], $0x80, $0x38;
	[tilespmem:$0x5920] =	vst v63  }
0x23: {  	_ =	swait.ge [sflag:s13], $0x80  }
0x24: {  	[sflag:s13] =	ssyncset.done $0x0  }
0x25: {  	[sflag:s13] =	ssyncadd.s32 $0xFFFFFF80  }
0x26: {  	[tilespmem:s15], [sflag:$0x1] =	stream.indirect.gather [hbm4b:s4+s14], $0x10, s3, s14, $0xb8;
	[tilespmem:$0x5920] =	vst v63  }
0x27: {  	_ =	swait.ge [sflag:s16], $0x800  }
0x28: {  	[sflag:s16] =	ssyncset.done $0x0  }
0x29: {  	[sflag:s16] =	ssyncadd.s32 $0xFFFFF800  }
0x2a: {  	[spmem:s2] =	stream.indirect.scatter.add.f32 [tilespmem:s15], [sflag:$0x2], $0x10, s14, s14, $0xb8;
	[tilespmem:$0x5920] =	vst v63  }
0x2b: {  	_ =	swait.ge [sflag:s13], $0x800  }
0x2c: {  	s23 =	simm.s32 $0x20;
	s22 =	simm.s32 $0x10;
	[sflag:s13] =	ssyncset.done $0x0  }
.LBB2_4:
0x2d: {  	s24 =	sadd.s32 s22, s11  }
0x2e: {  	[sflag:s13] =	ssyncadd.s32 $0xFFFFF800;
	s25 =	smov.u32 s23;
	s26 =	sadd.s32 $0x10, s23  }
0x2f: {  	[tilespmem:s3], [sflag:$0x2] =	stream.linear.gather [hbm4b:s24+s3], $0x80, $0x38;
	[tilespmem:$0x5920] =	vst v63  }
0x30: {  	p0 =	sne.s32 s23, $0x4D0;
	_ =	swait.ge [sflag:s13], $0x80  }
0x31: {  	[sflag:s13] =	ssyncset.done $0x0  }
0x32: {  	s23 =	sadd.s32 s22, s10;
	s22 =	smov.u32 s25;
	[sflag:s13] =	ssyncadd.s32 $0xFFFFFF80  }
0x33: {  	[tilespmem:s14], [sflag:$0x2] =	stream.linear.gather [hbm4b:s23+s3], $0x80, $0x38;
	[tilespmem:$0x5920] =	vst v63  }
0x34: {  	_ =	swait.ge [sflag:s13], $0x80  }
0x35: {  	[sflag:s13] =	ssyncset.done $0x0  }
0x36: {  	[sflag:s13] =	ssyncadd.s32 $0xFFFFFF80  }
0x37: {  	[tilespmem:s15], [sflag:$0x1] =	stream.indirect.gather [hbm4b:s4+s14], $0x10, s3, s14, $0xb8;
	[tilespmem:$0x5920] =	vst v63  }
0x38: {  	_ =	swait.ge [sflag:s16], $0x800  }
.Ltmp1:
0x39: {  	[sflag:s16] =	ssyncset.done $0x0;
	(pc) =	sbr.rel @p0 .LBB2_4-.Ltmp1, $4  }
0x3a: {  	[sflag:s16] =	ssyncadd.s32 $0xFFFFF800  }
0x3b: {  	[spmem:s2] =	stream.indirect.scatter.add.f32 [tilespmem:s15], [sflag:$0x2], $0x10, s14, s14, $0xb8;
	[tilespmem:$0x5920] =	vst v63  }
0x3c: {  	_ =	swait.ge [sflag:s13], $0x800  }
0x3d: {  	s23 =	smov.u32 s26;
	[sflag:s13] =	ssyncset.done $0x0  }
0x3e: {  	s23 =	sadd.s32 s22, s11;
	[sflag:s13] =	ssyncadd.s32 $0xFFFFF800  }
0x3f: {  	[tilespmem:s3], [sflag:$0x2] =	stream.linear.gather [hbm4b:s23+s3], $0x80, $0x38;
	[tilespmem:$0x5920] =	vst v63  }
0x40: {  	_ =	swait.ge [sflag:s13], $0x80  }
0x41: {  	[sflag:s13] =	ssyncset.done $0x0  }
0x42: {  	s29 =	sadd.s32 s22, s10;
	[sflag:s13] =	ssyncadd.s32 $0xFFFFFF80  }
0x43: {  	[tilespmem:s14], [sflag:$0x2] =	stream.linear.gather [hbm4b:s29+s3], $0x80, $0x38;
	[tilespmem:$0x5920] =	vst v63  }
0x44: {  	_ =	swait.ge [sflag:s13], $0x80  }
0x45: {  	[sflag:s13] =	ssyncset.done $0x0  }
0x46: {  	[sflag:s13] =	ssyncadd.s32 $0xFFFFFF80  }
0x47: {  	[tilespmem:s15], [sflag:$0x1] =	stream.indirect.gather [hbm4b:s4+s14], $0x10, s3, s14, $0xb8;
	[tilespmem:$0x5920] =	vst v63  }
0x48: {  	_ =	swait.ge [sflag:s16], $0x800  }
0x49: {  	[sflag:s16] =	ssyncset.done $0x0  }
0x4a: {  	[sflag:s16] =	ssyncadd.s32 $0xFFFFF800  }
0x4b: {  	[spmem:s2] =	stream.indirect.scatter.add.f32 [tilespmem:s15], [sflag:$0x2], $0x10, s14, s14, $0xb8;
	[tilespmem:$0x5920] =	vst v63  }
0x4c: {  	_ =	swait.ge [sflag:s13], $0x800  }
0x4d: {  	[sflag:s13] =	ssyncset.done $0x0  }
0x4e: {  	[sflag:s13] =	ssyncadd.s32 $0xFFFFF800  }
0x4f: {  	[tilespmem:s17], [sflag:$0x2] =	stream.linear.gather [hbm4b:s6+s3], $0x10, $0x38;
	[tilespmem:$0x5920] =	vst v63  }
0x50: {  	_ =	swait.ge [sflag:s13], $0x10  }
0x51: {  	[sflag:s13] =	ssyncset.done $0x0  }
0x52: {  	[sflag:s13] =	ssyncadd.s32 $0xFFFFFFF0  }
0x53: {  	[tilespmem:s18], [sflag:$0x2] =	stream.linear.gather [hbm4b:s7+s3], $0x10, $0x38;
	[tilespmem:$0x5920] =	vst v63  }
0x54: {  	_ =	swait.ge [sflag:s13], $0x10  }
0x55: {  	[sflag:s13] =	ssyncset.done $0x0  }
0x56: {  	[sflag:s13] =	ssyncadd.s32 $0xFFFFFFF0  }
0x57: {  	[tilespmem:s20], [sflag:$0x1] =	stream.indirect.gather [hbm4b:s4+s19], $0x10, s17, s19, $0xb8;
	[tilespmem:$0x5920] =	vst v63  }
0x58: {  	_ =	swait.ge [sflag:s16], $0x100  }
0x59: {  	[sflag:s16] =	ssyncset.done $0x0  }
0x5a: {  	[sflag:s16] =	ssyncadd.s32 $0xFFFFFF00  }
0x5b: {  	[spmem:s2] =	stream.indirect.scatter.add.f32 [tilespmem:s20], [sflag:$0x2], $0x10, s18, s19, $0xb8;
	[tilespmem:$0x5920] =	vst v63  }
0x5c: {  	_ =	swait.ge [sflag:s13], $0x100  }
0x5d: {  	s30 =	sshll.u32 s1, $0x6;
	s21 =	sadd.s32 $0x1, s21;
	[sflag:s13] =	ssyncset.done $0x0  }
0x5e: {  	s31 =	sshrl.u32 s5, $0x3;
	p0 =	sne.s32 s21, s9;
	[sflag:s13] =	ssyncadd.s32 $0xFFFFFF00  }
.Ltmp2:
0x5f: {  	s22 =	sor.u32 $0x1C02, s30;
	[bflag:$0x0] =	sbarrier.arrive $0xFFFF;
	(pc) =	sbr.rel @p0 .LBB2_1-.Ltmp2, $4  }
0x60: {  	[hbm:s8], [sflag:s22] =	dma.local [spmem:s31], $0x4F0  }
0x61: {  	_ =	swait.ge [sflag:s13], $0x4F0  }
0x62: {  	[sflag:s13] =	ssyncset.done $0x0  }
0x63: {  	[sflag:s13] =	ssyncadd.s32 $0xFFFFFB10  }
0x64: {  	_ =	sfence.sel $0x180000  }
0x65: {  	[bflag:$0x0] =	sbarrier.arrive $0xFFFF  }
0x66: {  	p0 =	sne.s32 s1, $0x0;
	_ =	strace $0x90000047  }
0x67: {  	s0 =	sadd.s32 @!p0 $0x100000, s0;
	[bflag:$0x2] =	sbarrier.arrive $0xFFFF  }
0x68: {  	[sflag:s0] =	ssyncadd.tile.s32 @!p0 $0x1;
	_ =	shalt  }
.Lfunc_end2:
_tile_overlayer_lowered:
.L_overlay_start_2:
0x69: {  	(tag) =	ssettag $0x2  }
0x6a: {  	s0 =	rddreg [dreg:$0x0];
	s2 =	stileid.u32  }
0x6b: {  	s1 =	rddreg [dreg:$0x1];
	p0 =	sne.s32 s2, $0x0  }
0x6c: {  	s3 =	rddreg [dreg:$0x2];
	[bflag:$0x3] =	sbarrier.arrive $0xFFFF;
	s2 =	simm.s32 @!p0 $0x1C02  }
0x6d: {  	[timem:s3], [sflag:s2] =	dma.local @!p0 [hbm:s0], s1  }
0x6e: {  	s0 =	simm.s32 @!p0 $0x2  }
0x6f: {  	_ =	swait.ge @!p0 [sflag:s0], s1  }
0x70: {  	s1 =	ssub.s32 @!p0 $0x0, s1;
	[sflag:s0] =	ssyncset.done @!p0 $0x0  }
0x71: {  	[sflag:s0] =	ssyncadd.s32 @!p0 s1  }
0x72: {  	[bflag:$0x3] =	sbarrier.arrive $0xFFFF  }
0x73: {  	_ =	shalt  }

// kernel: kernel.15.cloned.1.call-start
scs
__scs_entry_jumppad:
0x0: {  	(pc) =	sbr.rel $0x88, $3  }
0x1: {  	(tag) =	ssettag $0x0;
	lr =	simm.s32 $0x1  }
0x2: {  	[smem:$0x3F89] =	sst lr;
	_ =	strace $0xD0000000  }
0x3: {  	_ = 	snop  }
0x4: {  	_ = 	snop  }
0x5: {  	_ = 	snop  }
0x6: {  	_ = 	snop  }
0x7: {  	_ = 	snop  }
__scs_overlays_trampoline_lowered:
0x8: {  	[smem:$0x3F98] =	sst s0  }
0x9: {  	[smem:$0x3F99] =	sst s1  }
0xa: {  	[smem:$0x3F9A] =	sst s2  }
0xb: {  	[smem:$0x3F9B] =	sst s3  }
0xc: {  	[smem:$0x3F9C] =	sst s4  }
0xd: {  	[smem:$0x3F9D] =	sst s5  }
0xe: {  	[smem:$0x3F9E] =	sst s6  }
0xf: {  	[smem:$0x3F9F] =	sst s7  }
0x10: {  	[smem:$0x3FA0] =	sst s8  }
0x11: {  	[smem:$0x3FA1] =	sst s9;
	s0 =	simm.s32 @!p0 $0x0  }
0x12: {  	s1 =	sld [smem:$0x3F87];
	s0 =	simm.s32 @p0 $0x1  }
0x13: {  	[smem:$0x3FA2] =	sst s0;
	s0 =	simm.s32 @!p1 $0x0  }
0x14: {  	s2 =	sld [smem:$0x3F86];
	s0 =	simm.s32 @p1 $0x1  }
0x15: {  	[smem:$0x3FA3] =	sst s0;
	s0 =	simm.s32 @!p2 $0x0  }
0x16: {  	s3 =	sld [smem:$0x3FDB];
	s0 =	simm.s32 @p2 $0x1  }
0x17: {  	s4 =	simm.s32 $0x1BF5;
	[smem:$0x3FA5] =	sst s0  }
0x18: {  	s0 =	sld [smem:$0x3F88];
	_ =	swait.ge [sflag:s4], $0x0  }
0x19: {  	s7 =	sld [smem:$0x3F89]  }
0x1a: {  	s8 =	sadd.s32 $0xFFFFE003, lr  }
0x1b: {  	s9 =	sadd.s32 $0xFFFFFEF7, lr;
	s5 =	simm.s32 $0xFFFFFFFF;
	p2 =	slt.u32 s8, $0xFFFFF086  }
0x1c: {  	p1 =	slt.u32 s9, $0xF7A;
	s5 =	simm.s32 @!p2 $0x0  }
0x1d: {  	s5 =	simm.s32 @p1 $0x1;
	p0 =	seq.s32 s7, s2  }
0x1e: {  	s7 =	smul.u32 @!p0 $0xF7A, s2;
	p2 =	seq.s32 @!p0 s5, $0x0  }
0x1f: {  	s9 =	smul.u32 $0xF7A, s1;
	s8 =	simm.s32 @!p0 $0x1BF5;
	p2 =	por !p2, p0  }
0x20: {  	[sflag:s8] =	ssyncset.s32 @!p0 $0xFFFFF086;
	s6 =	sadd.s32 @!p0 s3, s7;
	s7 =	simm.s32 @!p0 $0x108  }
0x21: {  	s3 =	sadd.s32 s3, s9;
	s6 =	sadd.s32 @!p0 $0x88, s6;
	s7 =	simm.s32 @p2 $0x1082  }
0x22: {  	[simem:s7], [sflag:s8] =	dma.local @!p0 [hbm:s6], $0xF7A  }
0x23: {  	s9 =	sor.u32 $0xD0000000, s2;
	s6 =	simm.s32 $0x108;
	_ =	swait.ge @!p0 [sflag:s8], $0x0  }
0x24: {  	s3 =	sadd.s32 $0x88, s3;
	s6 =	simm.s32 @!p1 $0x1082;
	[sflag:s4] =	ssyncset.s32 $0xFFFFF086  }
0x25: {  	[simem:s6], [sflag:s4] =	dma.local [hbm:s3], $0xF7A  }
0x26: {  	[smem:$0x3F89] =	sst s1;
	(tag) =	ssettag s2;
	_ =	strace s9  }
0x27: {  	s1 =	sld [smem:$0x3F99]  }
0x28: {  	s2 =	sld [smem:$0x3F9A]  }
0x29: {  	s4 =	sld [smem:$0x3F9C]  }
0x2a: {  	p0 =	seq.s32 s5, $0x0;
	s5 =	sld [smem:$0x3F9D]  }
0x2b: {  	s6 =	sld [smem:$0x3F9E]  }
0x2c: {  	s7 =	sld [smem:$0x3F9F]  }
0x2d: {  	s3 =	simm.s32 $0x108;
	s8 =	sld [smem:$0x3FA0]  }
0x2e: {  	s3 =	simm.s32 @!p0 $0x1082;
	s9 =	sld [smem:$0x3FA1]  }
0x2f: {  	lr =	sadd.s32 s0, s3;
	s0 =	sld [smem:$0x3F98]  }
0x30: {  	s3 =	sld [smem:$0x3F9B]  }
0x31: {  	[smem:$0x3FA4] =	sst s10  }
0x32: {  	s10 =	sld [smem:$0x3FA2];
	_ =	sdelay $0x3  }
0x33: {  	p0 =	seq.s32 s10, $0x1;
	s10 =	sld [smem:$0x3FA4];
	_ =	sdelay $0x3  }
0x34: {  	[smem:$0x3FA4] =	sst s10  }
0x35: {  	s10 =	sld [smem:$0x3FA3];
	_ =	sdelay $0x3  }
0x36: {  	p1 =	seq.s32 s10, $0x1;
	s10 =	sld [smem:$0x3FA4];
	_ =	sdelay $0x3  }
0x37: {  	[smem:$0x3FA4] =	sst s10  }
0x38: {  	s10 =	sld [smem:$0x3FA5]  }
0x39: {  	_ = 	snop;
	(pc) =	sbr.ind lr, $3  }
0x3a: {  	_ = 	snop  }
0x3b: {  	_ = 	snop  }
0x3c: {  	p2 =	seq.s32 s10, $0x1;
	s10 =	sld [smem:$0x3FA4]  }
0x3d: {  	_ =	shalt  }
0x3e: {  	_ =	shalt  }
0x3f: {  	_ =	shalt  }
0x40: {  	_ =	shalt  }
0x41: {  	_ =	shalt  }
0x42: {  	_ =	shalt  }
0x43: {  	_ =	shalt  }
0x44: {  	_ =	shalt  }
0x45: {  	_ =	shalt  }
0x46: {  	_ =	shalt  }
0x47: {  	_ =	shalt  }
0x48: {  	_ =	shalt  }
0x49: {  	_ =	shalt  }
0x4a: {  	_ =	shalt  }
0x4b: {  	_ =	shalt  }
0x4c: {  	_ =	shalt  }
0x4d: {  	_ =	shalt  }
0x4e: {  	_ =	shalt  }
0x4f: {  	_ =	shalt  }
0x50: {  	_ =	shalt  }
0x51: {  	_ =	shalt  }
0x52: {  	_ =	shalt  }
0x53: {  	_ =	shalt  }
0x54: {  	_ =	shalt  }
0x55: {  	_ =	shalt  }
0x56: {  	_ =	shalt  }
0x57: {  	_ =	shalt  }
0x58: {  	_ =	shalt  }
0x59: {  	_ =	shalt  }
0x5a: {  	_ =	shalt  }
0x5b: {  	_ =	shalt  }
0x5c: {  	_ =	shalt  }
0x5d: {  	_ =	shalt  }
0x5e: {  	_ =	shalt  }
0x5f: {  	_ =	shalt  }
0x60: {  	_ =	shalt  }
0x61: {  	_ =	shalt  }
0x62: {  	_ =	shalt  }
0x63: {  	_ =	shalt  }
0x64: {  	_ =	shalt  }
0x65: {  	_ =	shalt  }
0x66: {  	_ =	shalt  }
0x67: {  	_ =	shalt  }
0x68: {  	_ =	shalt  }
0x69: {  	_ =	shalt  }
0x6a: {  	_ =	shalt  }
0x6b: {  	_ =	shalt  }
0x6c: {  	_ =	shalt  }
0x6d: {  	_ =	shalt  }
0x6e: {  	_ =	shalt  }
0x6f: {  	_ =	shalt  }
0x70: {  	_ =	shalt  }
0x71: {  	_ =	shalt  }
0x72: {  	_ =	shalt  }
0x73: {  	_ =	shalt  }
0x74: {  	_ =	shalt  }
0x75: {  	_ =	shalt  }
0x76: {  	_ =	shalt  }
0x77: {  	_ =	shalt  }
0x78: {  	_ =	shalt  }
0x79: {  	_ =	shalt  }
0x7a: {  	_ =	shalt  }
0x7b: {  	_ =	shalt  }
0x7c: {  	_ =	shalt  }
0x7d: {  	_ =	shalt  }
0x7e: {  	_ =	shalt  }
0x7f: {  	_ =	shalt  }
0x80: {  	_ =	shalt  }
0x81: {  	_ =	shalt  }
0x82: {  	_ =	shalt  }
0x83: {  	_ =	shalt  }
0x84: {  	_ =	shalt  }
0x85: {  	_ =	shalt  }
0x86: {  	_ =	shalt  }
0x87: {  	_ =	shalt  }
.Lfunc_end0:
.L_simem_size_0:
called_computation.1_lowered:
.L_overlay_start_0:
0x88: {  	s2 =	sld [smem:$0x3FD9]  }
0x89: {  	s3 =	sld [smem:$0x3FFE];
	_ =	sdelay $0x1  }
0x8a: {  	s1 =	srdreg.scid  }
0x8b: {  	s0 =	sand.u32 $0x1, s1  }
0x8c: {  	s17 =	sshll.u32 s0, $0xA;
	s2 =	sadd.s32 s3, s2  }
0x8d: {  	s2 =	sadd.s32 s2, s17  }
0x8e: {  	[smem:$0x3FB0] =	sst s2  }
0x8f: {  	_ = 	snop  }
0x90: {  	s2 =	sld [smem:$0x3FD0];
	(tm) =	ssettm $0x1  }
0x91: {  	s18 =	sld [smem:$0x3FFB];
	_ =	sdelay $0x3  }
0x92: {  	_ =	strace s18  }
0x93: {  	s3 =	sld [smem:$0x3FFC];
	_ =	sdelay $0x3  }
0x94: {  	_ =	strace s3  }
0x95: {  	s3 =	sld [smem:$0x3FFD];
	_ =	sdelay $0x3  }
0x96: {  	_ =	strace s3  }
0x97: {  	_ =	strace $0x8FFFFFFF  }
0x98: {  	s19 =	sld [smem:$0x3FDB];
	_ =	sdelay $0x1  }
0x99: {  	s4 =	simm.s32 $_scs_section_size  }
0x9a: {  	s5 =	simm.s32 $_size__tile_overlayer_lowered;
	s6 =	simm.s32 $_tile_overlayer_lowered  }
0x9b: {  	s22 =	simm.s32 $0x1BFF;
	s21 =	sshll.u32 s6, $0x1;
	s3 =	sadd.s32 s4, s19  }
0x9c: {  	s7 =	simm.s32 $0x0;
	s20 =	sshll.u32 s5, $0x1;
	s5 =	sadd.s32 s21, s3  }
0x9d: {  	[timem:s7], [sflag:s22] =	dma.local [hbm:s5], s20  }
0x9e: {  	_ =	swait.ge [sflag:s22], s20  }
0x9f: {  	s4 =	ssub.s32 $0x0, s20;
	[sflag:s22] =	ssyncset.done $0x0  }
0xa0: {  	[sflag:s22] =	ssyncadd.s32 s4;
	_ =	sdelay $0x1  }
0xa1: {  	s23 =	simm.s32 $0x1B8B  }
0xa2: {  	_ =	swait.ge [sflag:s23], $0x1  }
0xa3: {  	[sflag:s23] =	ssyncset.done $0x0  }
0xa4: {  	s25 =	simm.s32 $0x1B8E;
	s24 =	sld [smem:$0x3FFE];
	[sflag:s23] =	ssyncadd.s32 $0xFFFFFFFF  }
0xa5: {  	s26 =	simm.s32 $execute0_lowered;
	[smem:$0x3FD2] =	sst s25  }
0xa6: {  	s5 =	sshll.u32 s26, $0x1;
	_ =	strace $0x80000049;
	[dreg:$0x1] =	wrdreg $0xFFFFFFFF  }
0xa7: {  	s28 =	simm.s32 $_size_execute0_lowered;
	s3 =	sadd.s32 s3, s5;
	[dreg:$0x0] =	wrdreg $0x0  }
0xa8: {  	s5 =	sshll.u32 s28, $0x1;
	[dreg:$0x2] =	wrdreg s3  }
0xa9: {  	[dreg:$0x3] =	wrdreg s5  }
0xaa: {  	[dreg:$0x4] =	wrdreg $0xC0  }
0xab: {  	_ =	task [dreg:s7], $0x5FFFF  }
0xac: {  	[dreg:$0x1] =	wrdreg $0xFFFFFFFF  }
0xad: {  	[dreg:$0x0] =	wrdreg $0x60  }
0xae: {  	[dreg:$0x2] =	wrdreg s24  }
0xaf: {  	[dreg:$0x3] =	wrdreg s2  }
0xb0: {  	[dreg:$0x4] =	wrdreg $0x9000  }
0xb1: {  	[dreg:$0x5] =	wrdreg $0x9  }
0xb2: {  	_ =	task.clear_ibuf [dreg:s7], $0x6FFFF;
	_ =	strace $0x90000049  }
0xb3: {  	s29 =	simm.s32 $0x9;
	_ =	strace $0x8000004B  }
0xb4: {  	_ =	swait.ge [sflag:s29], $0x1  }
0xb5: {  	[sflag:s29] =	ssyncadd.s32 $0xFFFFFFFF  }
0xb6: {  	_ =	strace $0x9000004B  }
0xb7: {  	_ =	sfence  }
0xb8: {  	s30 =	sld [smem:$0x0];
	_ =	sdelay $0x2  }
0xb9: {  	s31 =	sshll.u32 s1, $0xD;
	s1 =	sshrl.u32 s1, $0x2  }
0xba: {  	s3 =	sand.u32 $0x4000, s31;
	s1 =	sadd.s32 s1, s30  }
0xbb: {  	s0 =	sor.u32 s3, s0;
	s1 =	sshll.u32 s1, $0x11  }
0xbc: {  	s0 =	sor.u32 s1, s0  }
0xbd: {  	s0 =	sadd.s32 $0x8F2B, s0  }
0xbe: {  	[sflag:s0] =	ssyncadd.remote.s32 $0x1  }
0xbf: {  	_ =	sfence.sel $0xFFFF  }
0xc0: {  	[dreg:$0x0] =	wrdreg $0xFFFFFFFF;
	(pc) =	sbr.abs _section_cstart, $3  }
0xc1: {  	[dreg:$0x1] =	wrdreg $0xFFFFFFFF  }
0xc2: {  	_ =	task.clear_ibuf [dreg:s7], $0x2FFFF;
	_ =	strace $0x9FFFFFFF  }
0xc3: {  	(tm) =	ssettm $0x7FFFFFFF  }
tec
execute0_lowered:
.L_overlay_start_1:
0x0: {  	(tag) =	ssettag $0x1  }
0x1: {  	s5 =	rddreg [dreg:$0x0]  }
0x2: {  	s8 =	rddreg [dreg:$0x1]  }
0x3: {  	s2 =	rddreg [dreg:$0x2]  }
0x4: {  	s0 =	rddreg [dreg:$0x3]  }
0x5: {  	s3 =	simm.s32 $0x0;
	s4 =	srdreg.scid;
	s1 =	stileid.u32  }
0x6: {  	s16 =	simm.s32 $0x1;
	s17 =	simm.s32 $0x5800;
	s18 =	simm.s32 $0x5810  }
0x7: {  	s19 =	simm.s32 $0x10;
	s20 =	simm.s32 $0x5820;
	s21 =	simm.s32 $0x0  }
0x8: {  	[smem:$0x7FF] =	sst s3;
	s6 =	sand.u32 $0x1, s4;
	s9 =	smul.u32 $0x2780, s1  }
0x9: {  	s29 =	sshll.u32 s1, $0x1;
	s4 =	sadd.s32 $0x18200, s5;
	s14 =	smul.u32 $0x4E20, s1  }
0xa: {  	s11 =	sadd.s32 $0xE400, s5;
	s10 =	sadd.s32 $0x4600, s5;
	s12 =	smul.u32 $0x27800, s6  }
0xb: {  	s7 =	sor.u32 s6, s29;
	s30 =	ssub.s32 $0x2, s6;
	s15 =	smul.u32 $0x2710, s6  }
0xc: {  	_ =	strace $0x8000004A;
	s7 =	smul.u32 $0x2710, s7;
	s13 =	sshrl.u32 s30, $0x1  }
0xd: {  	s5 =	sadd.s32 s9, s2;
	s13 =	ssub.s32 s30, s13;
	s9 =	sadd.s32 s9, s12  }
0xe: {  	s31 =	sadd.s32 s15, s14;
	s14 =	simm.s32 $0x80;
	s15 =	simm.s32 $0x100  }
0xf: {  	s7 =	sshrl.u32 s7, $0x3;
	s9 =	sshrl.u32 s9, $0x3;
	s12 =	sshrl.u32 s31, $0x3  }
0x10: {  	s7 =	sadd.s32 $0x4E0, s7;
	s8 =	sadd.s32 s8, s9;
	s9 =	smax.u32 s13, $0x1  }
0x11: {  	s13 =	simm.s32 $0x2;
	s6 =	sadd.s32 s11, s7;
	s7 =	sadd.s32 s10, s7  }
0x12: {  	v0 =	vimm.f32 $0.0e+00;
	s10 =	sadd.s32 s12, s10;
	s11 =	sadd.s32 s12, s11;
	s12 =	simm.s32 $0x3080  }
.LBB2_1:
0x13: {  	s22 =	simm.s32 $0x40;
	s23 =	simm.s32 $0x0  }
.LBB2_2:
0x14: {  	p0 =	sne.s32 s22, $0x9DC0;
	[tilespmem:s23+$0x3080] =	vst v0;
	s23 =	smov.u32 s22;
	s22 =	sadd.s32 $0x40, s22  }
.Ltmp0:
0x15: {  	(pc) =	sbr.rel @p0 .LBB2_2-.Ltmp0, $2  }
0x16: {  	_ =	sdelay $0x2  }
0x17: {  	s23 =	sshra.s32 s23, $0x2  }
0x18: {  	[tilespmem:s23+$0x3080] =	vst v0  }
0x19: {  	[spmem:s5] =	stream.linear.scatter [tilespmem:s12], [sflag:$0x2], $0x2780, $0x38;
	[tilespmem:$0x5920] =	vst v63  }
0x1a: {  	_ =	swait.ge [sflag:s13], $0x2780  }
0x1b: {  	[sflag:s13] =	ssyncset.done $0x0  }
0x1c: {  	[sflag:s13] =	ssyncadd.s32 $0xFFFFD880  }
0x1d: {  	s22 =	sadd.s32 $0x0, s11;
	[bflag:$0x0] =	sbarrier.arrive $0xFFFF  }
0x1e: {  	[tilespmem:s3], [sflag:$0x2] =	stream.linear.gather [hbm4b:s22+s3], $0x80, $0x38;
	[tilespmem:$0x5920] =	vst v63  }
0x1f: {  	_ =	swait.ge [sflag:s13], $0x80  }
0x20: {  	[sflag:s13] =	ssyncset.done $0x0  }
0x21: {  	s31 =	sadd.s32 $0x0, s10;
	[sflag:s13] =	ssyncadd.s32 $0xFFFFFF80  }
0x22: {  	[tilespmem:s14], [sflag:$0x2] =	stream.linear.gather [hbm4b:s31+s3], $0x80, $0x38;
	[tilespmem:$0x5920] =	vst v63  }
0x23: {  	_ =	swait.ge [sflag:s13], $0x80  }
0x24: {  	[sflag:s13] =	ssyncset.done $0x0  }
0x25: {  	[sflag:s13] =	ssyncadd.s32 $0xFFFFFF80  }
0x26: {  	[tilespmem:s15], [sflag:$0x1] =	stream.indirect.gather [hbm4b:s4+s14], $0x10, s3, s14, $0xb8;
	[tilespmem:$0x5920] =	vst v63  }
0x27: {  	_ =	swait.ge [sflag:s16], $0x800  }
0x28: {  	[sflag:s16] =	ssyncset.done $0x0  }
0x29: {  	[sflag:s16] =	ssyncadd.s32 $0xFFFFF800  }
0x2a: {  	[spmem:s2] =	stream.indirect.scatter.add.f32 [tilespmem:s15], [sflag:$0x2], $0x10, s14, s14, $0xb8;
	[tilespmem:$0x5920] =	vst v63  }
0x2b: {  	_ =	swait.ge [sflag:s13], $0x800  }
0x2c: {  	s23 =	simm.s32 $0x20;
	s22 =	simm.s32 $0x10;
	[sflag:s13] =	ssyncset.done $0x0  }
.LBB2_4:
0x2d: {  	s24 =	sadd.s32 s22, s11  }
0x2e: {  	[sflag:s13] =	ssyncadd.s32 $0xFFFFF800;
	s25 =	smov.u32 s23;
	s26 =	sadd.s32 $0x10, s23  }
0x2f: {  	[tilespmem:s3], [sflag:$0x2] =	stream.linear.gather [hbm4b:s24+s3], $0x80, $0x38;
	[tilespmem:$0x5920] =	vst v63  }
0x30: {  	p0 =	sne.s32 s23, $0x4D0;
	_ =	swait.ge [sflag:s13], $0x80  }
0x31: {  	[sflag:s13] =	ssyncset.done $0x0  }
0x32: {  	s23 =	sadd.s32 s22, s10;
	s22 =	smov.u32 s25;
	[sflag:s13] =	ssyncadd.s32 $0xFFFFFF80  }
0x33: {  	[tilespmem:s14], [sflag:$0x2] =	stream.linear.gather [hbm4b:s23+s3], $0x80, $0x38;
	[tilespmem:$0x5920] =	vst v63  }
0x34: {  	_ =	swait.ge [sflag:s13], $0x80  }
0x35: {  	[sflag:s13] =	ssyncset.done $0x0  }
0x36: {  	[sflag:s13] =	ssyncadd.s32 $0xFFFFFF80  }
0x37: {  	[tilespmem:s15], [sflag:$0x1] =	stream.indirect.gather [hbm4b:s4+s14], $0x10, s3, s14, $0xb8;
	[tilespmem:$0x5920] =	vst v63  }
0x38: {  	_ =	swait.ge [sflag:s16], $0x800  }
.Ltmp1:
0x39: {  	[sflag:s16] =	ssyncset.done $0x0;
	(pc) =	sbr.rel @p0 .LBB2_4-.Ltmp1, $4  }
0x3a: {  	[sflag:s16] =	ssyncadd.s32 $0xFFFFF800  }
0x3b: {  	[spmem:s2] =	stream.indirect.scatter.add.f32 [tilespmem:s15], [sflag:$0x2], $0x10, s14, s14, $0xb8;
	[tilespmem:$0x5920] =	vst v63  }
0x3c: {  	_ =	swait.ge [sflag:s13], $0x800  }
0x3d: {  	s23 =	smov.u32 s26;
	[sflag:s13] =	ssyncset.done $0x0  }
0x3e: {  	s23 =	sadd.s32 s22, s11;
	[sflag:s13] =	ssyncadd.s32 $0xFFFFF800  }
0x3f: {  	[tilespmem:s3], [sflag:$0x2] =	stream.linear.gather [hbm4b:s23+s3], $0x80, $0x38;
	[tilespmem:$0x5920] =	vst v63  }
0x40: {  	_ =	swait.ge [sflag:s13], $0x80  }
0x41: {  	[sflag:s13] =	ssyncset.done $0x0  }
0x42: {  	s29 =	sadd.s32 s22, s10;
	[sflag:s13] =	ssyncadd.s32 $0xFFFFFF80  }
0x43: {  	[tilespmem:s14], [sflag:$0x2] =	stream.linear.gather [hbm4b:s29+s3], $0x80, $0x38;
	[tilespmem:$0x5920] =	vst v63  }
0x44: {  	_ =	swait.ge [sflag:s13], $0x80  }
0x45: {  	[sflag:s13] =	ssyncset.done $0x0  }
0x46: {  	[sflag:s13] =	ssyncadd.s32 $0xFFFFFF80  }
0x47: {  	[tilespmem:s15], [sflag:$0x1] =	stream.indirect.gather [hbm4b:s4+s14], $0x10, s3, s14, $0xb8;
	[tilespmem:$0x5920] =	vst v63  }
0x48: {  	_ =	swait.ge [sflag:s16], $0x800  }
0x49: {  	[sflag:s16] =	ssyncset.done $0x0  }
0x4a: {  	[sflag:s16] =	ssyncadd.s32 $0xFFFFF800  }
0x4b: {  	[spmem:s2] =	stream.indirect.scatter.add.f32 [tilespmem:s15], [sflag:$0x2], $0x10, s14, s14, $0xb8;
	[tilespmem:$0x5920] =	vst v63  }
0x4c: {  	_ =	swait.ge [sflag:s13], $0x800  }
0x4d: {  	[sflag:s13] =	ssyncset.done $0x0  }
0x4e: {  	[sflag:s13] =	ssyncadd.s32 $0xFFFFF800  }
0x4f: {  	[tilespmem:s17], [sflag:$0x2] =	stream.linear.gather [hbm4b:s6+s3], $0x10, $0x38;
	[tilespmem:$0x5920] =	vst v63  }
0x50: {  	_ =	swait.ge [sflag:s13], $0x10  }
0x51: {  	[sflag:s13] =	ssyncset.done $0x0  }
0x52: {  	[sflag:s13] =	ssyncadd.s32 $0xFFFFFFF0  }
0x53: {  	[tilespmem:s18], [sflag:$0x2] =	stream.linear.gather [hbm4b:s7+s3], $0x10, $0x38;
	[tilespmem:$0x5920] =	vst v63  }
0x54: {  	_ =	swait.ge [sflag:s13], $0x10  }
0x55: {  	[sflag:s13] =	ssyncset.done $0x0  }
0x56: {  	[sflag:s13] =	ssyncadd.s32 $0xFFFFFFF0  }
0x57: {  	[tilespmem:s20], [sflag:$0x1] =	stream.indirect.gather [hbm4b:s4+s19], $0x10, s17, s19, $0xb8;
	[tilespmem:$0x5920] =	vst v63  }
0x58: {  	_ =	swait.ge [sflag:s16], $0x100  }
0x59: {  	[sflag:s16] =	ssyncset.done $0x0  }
0x5a: {  	[sflag:s16] =	ssyncadd.s32 $0xFFFFFF00  }
0x5b: {  	[spmem:s2] =	stream.indirect.scatter.add.f32 [tilespmem:s20], [sflag:$0x2], $0x10, s18, s19, $0xb8;
	[tilespmem:$0x5920] =	vst v63  }
0x5c: {  	_ =	swait.ge [sflag:s13], $0x100  }
0x5d: {  	s30 =	sshll.u32 s1, $0x6;
	s21 =	sadd.s32 $0x1, s21;
	[sflag:s13] =	ssyncset.done $0x0  }
0x5e: {  	s31 =	sshrl.u32 s5, $0x3;
	p0 =	sne.s32 s21, s9;
	[sflag:s13] =	ssyncadd.s32 $0xFFFFFF00  }
.Ltmp2:
0x5f: {  	s22 =	sor.u32 $0x1C02, s30;
	[bflag:$0x0] =	sbarrier.arrive $0xFFFF;
	(pc) =	sbr.rel @p0 .LBB2_1-.Ltmp2, $4  }
0x60: {  	[hbm:s8], [sflag:s22] =	dma.local [spmem:s31], $0x4F0  }
0x61: {  	_ =	swait.ge [sflag:s13], $0x4F0  }
0x62: {  	[sflag:s13] =	ssyncset.done $0x0  }
0x63: {  	[sflag:s13] =	ssyncadd.s32 $0xFFFFFB10  }
0x64: {  	_ =	sfence.sel $0x180000  }
0x65: {  	[bflag:$0x0] =	sbarrier.arrive $0xFFFF  }
0x66: {  	p0 =	sne.s32 s1, $0x0;
	_ =	strace $0x9000004A  }
0x67: {  	s0 =	sadd.s32 @!p0 $0x100000, s0;
	[bflag:$0x2] =	sbarrier.arrive $0xFFFF  }
0x68: {  	[sflag:s0] =	ssyncadd.tile.s32 @!p0 $0x1;
	_ =	shalt  }
.Lfunc_end2:
_tile_overlayer_lowered:
.L_overlay_start_2:
0x69: {  	(tag) =	ssettag $0x2  }
0x6a: {  	s0 =	rddreg [dreg:$0x0];
	s2 =	stileid.u32  }
0x6b: {  	s1 =	rddreg [dreg:$0x1];
	p0 =	sne.s32 s2, $0x0  }
0x6c: {  	s3 =	rddreg [dreg:$0x2];
	[bflag:$0x3] =	sbarrier.arrive $0xFFFF;
	s2 =	simm.s32 @!p0 $0x1C02  }
0x6d: {  	[timem:s3], [sflag:s2] =	dma.local @!p0 [hbm:s0], s1  }
0x6e: {  	s0 =	simm.s32 @!p0 $0x2  }
0x6f: {  	_ =	swait.ge @!p0 [sflag:s0], s1  }
0x70: {  	s1 =	ssub.s32 @!p0 $0x0, s1;
	[sflag:s0] =	ssyncset.done @!p0 $0x0  }
0x71: {  	[sflag:s0] =	ssyncadd.s32 @!p0 s1  }
0x72: {  	[bflag:$0x3] =	sbarrier.arrive $0xFFFF  }
0x73: {  	_ =	shalt  }

// kernel: kernel.18.cloned.1.call-start
scs
__scs_entry_jumppad:
0x0: {  	(pc) =	sbr.rel $0x88, $3  }
0x1: {  	(tag) =	ssettag $0x0;
	lr =	simm.s32 $0x1  }
0x2: {  	[smem:$0x3F89] =	sst lr;
	_ =	strace $0xD0000000  }
0x3: {  	_ = 	snop  }
0x4: {  	_ = 	snop  }
0x5: {  	_ = 	snop  }
0x6: {  	_ = 	snop  }
0x7: {  	_ = 	snop  }
__scs_overlays_trampoline_lowered:
0x8: {  	[smem:$0x3F98] =	sst s0  }
0x9: {  	[smem:$0x3F99] =	sst s1  }
0xa: {  	[smem:$0x3F9A] =	sst s2  }
0xb: {  	[smem:$0x3F9B] =	sst s3  }
0xc: {  	[smem:$0x3F9C] =	sst s4  }
0xd: {  	[smem:$0x3F9D] =	sst s5  }
0xe: {  	[smem:$0x3F9E] =	sst s6  }
0xf: {  	[smem:$0x3F9F] =	sst s7  }
0x10: {  	[smem:$0x3FA0] =	sst s8  }
0x11: {  	[smem:$0x3FA1] =	sst s9;
	s0 =	simm.s32 @!p0 $0x0  }
0x12: {  	s1 =	sld [smem:$0x3F87];
	s0 =	simm.s32 @p0 $0x1  }
0x13: {  	[smem:$0x3FA2] =	sst s0;
	s0 =	simm.s32 @!p1 $0x0  }
0x14: {  	s2 =	sld [smem:$0x3F86];
	s0 =	simm.s32 @p1 $0x1  }
0x15: {  	[smem:$0x3FA3] =	sst s0;
	s0 =	simm.s32 @!p2 $0x0  }
0x16: {  	s3 =	sld [smem:$0x3FDB];
	s0 =	simm.s32 @p2 $0x1  }
0x17: {  	s4 =	simm.s32 $0x1BF5;
	[smem:$0x3FA5] =	sst s0  }
0x18: {  	s0 =	sld [smem:$0x3F88];
	_ =	swait.ge [sflag:s4], $0x0  }
0x19: {  	s7 =	sld [smem:$0x3F89]  }
0x1a: {  	s8 =	sadd.s32 $0xFFFFE003, lr  }
0x1b: {  	s9 =	sadd.s32 $0xFFFFFEF7, lr;
	s5 =	simm.s32 $0xFFFFFFFF;
	p2 =	slt.u32 s8, $0xFFFFF086  }
0x1c: {  	p1 =	slt.u32 s9, $0xF7A;
	s5 =	simm.s32 @!p2 $0x0  }
0x1d: {  	s5 =	simm.s32 @p1 $0x1;
	p0 =	seq.s32 s7, s2  }
0x1e: {  	s7 =	smul.u32 @!p0 $0xF7A, s2;
	p2 =	seq.s32 @!p0 s5, $0x0  }
0x1f: {  	s9 =	smul.u32 $0xF7A, s1;
	s8 =	simm.s32 @!p0 $0x1BF5;
	p2 =	por !p2, p0  }
0x20: {  	[sflag:s8] =	ssyncset.s32 @!p0 $0xFFFFF086;
	s6 =	sadd.s32 @!p0 s3, s7;
	s7 =	simm.s32 @!p0 $0x108  }
0x21: {  	s3 =	sadd.s32 s3, s9;
	s6 =	sadd.s32 @!p0 $0x88, s6;
	s7 =	simm.s32 @p2 $0x1082  }
0x22: {  	[simem:s7], [sflag:s8] =	dma.local @!p0 [hbm:s6], $0xF7A  }
0x23: {  	s9 =	sor.u32 $0xD0000000, s2;
	s6 =	simm.s32 $0x108;
	_ =	swait.ge @!p0 [sflag:s8], $0x0  }
0x24: {  	s3 =	sadd.s32 $0x88, s3;
	s6 =	simm.s32 @!p1 $0x1082;
	[sflag:s4] =	ssyncset.s32 $0xFFFFF086  }
0x25: {  	[simem:s6], [sflag:s4] =	dma.local [hbm:s3], $0xF7A  }
0x26: {  	[smem:$0x3F89] =	sst s1;
	(tag) =	ssettag s2;
	_ =	strace s9  }
0x27: {  	s1 =	sld [smem:$0x3F99]  }
0x28: {  	s2 =	sld [smem:$0x3F9A]  }
0x29: {  	s4 =	sld [smem:$0x3F9C]  }
0x2a: {  	p0 =	seq.s32 s5, $0x0;
	s5 =	sld [smem:$0x3F9D]  }
0x2b: {  	s6 =	sld [smem:$0x3F9E]  }
0x2c: {  	s7 =	sld [smem:$0x3F9F]  }
0x2d: {  	s3 =	simm.s32 $0x108;
	s8 =	sld [smem:$0x3FA0]  }
0x2e: {  	s3 =	simm.s32 @!p0 $0x1082;
	s9 =	sld [smem:$0x3FA1]  }
0x2f: {  	lr =	sadd.s32 s0, s3;
	s0 =	sld [smem:$0x3F98]  }
0x30: {  	s3 =	sld [smem:$0x3F9B]  }
0x31: {  	[smem:$0x3FA4] =	sst s10  }
0x32: {  	s10 =	sld [smem:$0x3FA2];
	_ =	sdelay $0x3  }
0x33: {  	p0 =	seq.s32 s10, $0x1;
	s10 =	sld [smem:$0x3FA4];
	_ =	sdelay $0x3  }
0x34: {  	[smem:$0x3FA4] =	sst s10  }
0x35: {  	s10 =	sld [smem:$0x3FA3];
	_ =	sdelay $0x3  }
0x36: {  	p1 =	seq.s32 s10, $0x1;
	s10 =	sld [smem:$0x3FA4];
	_ =	sdelay $0x3  }
0x37: {  	[smem:$0x3FA4] =	sst s10  }
0x38: {  	s10 =	sld [smem:$0x3FA5]  }
0x39: {  	_ = 	snop;
	(pc) =	sbr.ind lr, $3  }
0x3a: {  	_ = 	snop  }
0x3b: {  	_ = 	snop  }
0x3c: {  	p2 =	seq.s32 s10, $0x1;
	s10 =	sld [smem:$0x3FA4]  }
0x3d: {  	_ =	shalt  }
0x3e: {  	_ =	shalt  }
0x3f: {  	_ =	shalt  }
0x40: {  	_ =	shalt  }
0x41: {  	_ =	shalt  }
0x42: {  	_ =	shalt  }
0x43: {  	_ =	shalt  }
0x44: {  	_ =	shalt  }
0x45: {  	_ =	shalt  }
0x46: {  	_ =	shalt  }
0x47: {  	_ =	shalt  }
0x48: {  	_ =	shalt  }
0x49: {  	_ =	shalt  }
0x4a: {  	_ =	shalt  }
0x4b: {  	_ =	shalt  }
0x4c: {  	_ =	shalt  }
0x4d: {  	_ =	shalt  }
0x4e: {  	_ =	shalt  }
0x4f: {  	_ =	shalt  }
0x50: {  	_ =	shalt  }
0x51: {  	_ =	shalt  }
0x52: {  	_ =	shalt  }
0x53: {  	_ =	shalt  }
0x54: {  	_ =	shalt  }
0x55: {  	_ =	shalt  }
0x56: {  	_ =	shalt  }
0x57: {  	_ =	shalt  }
0x58: {  	_ =	shalt  }
0x59: {  	_ =	shalt  }
0x5a: {  	_ =	shalt  }
0x5b: {  	_ =	shalt  }
0x5c: {  	_ =	shalt  }
0x5d: {  	_ =	shalt  }
0x5e: {  	_ =	shalt  }
0x5f: {  	_ =	shalt  }
0x60: {  	_ =	shalt  }
0x61: {  	_ =	shalt  }
0x62: {  	_ =	shalt  }
0x63: {  	_ =	shalt  }
0x64: {  	_ =	shalt  }
0x65: {  	_ =	shalt  }
0x66: {  	_ =	shalt  }
0x67: {  	_ =	shalt  }
0x68: {  	_ =	shalt  }
0x69: {  	_ =	shalt  }
0x6a: {  	_ =	shalt  }
0x6b: {  	_ =	shalt  }
0x6c: {  	_ =	shalt  }
0x6d: {  	_ =	shalt  }
0x6e: {  	_ =	shalt  }
0x6f: {  	_ =	shalt  }
0x70: {  	_ =	shalt  }
0x71: {  	_ =	shalt  }
0x72: {  	_ =	shalt  }
0x73: {  	_ =	shalt  }
0x74: {  	_ =	shalt  }
0x75: {  	_ =	shalt  }
0x76: {  	_ =	shalt  }
0x77: {  	_ =	shalt  }
0x78: {  	_ =	shalt  }
0x79: {  	_ =	shalt  }
0x7a: {  	_ =	shalt  }
0x7b: {  	_ =	shalt  }
0x7c: {  	_ =	shalt  }
0x7d: {  	_ =	shalt  }
0x7e: {  	_ =	shalt  }
0x7f: {  	_ =	shalt  }
0x80: {  	_ =	shalt  }
0x81: {  	_ =	shalt  }
0x82: {  	_ =	shalt  }
0x83: {  	_ =	shalt  }
0x84: {  	_ =	shalt  }
0x85: {  	_ =	shalt  }
0x86: {  	_ =	shalt  }
0x87: {  	_ =	shalt  }
.Lfunc_end0:
.L_simem_size_0:
called_computation.2_lowered:
.L_overlay_start_0:
0x88: {  	s2 =	sld [smem:$0x3FD9]  }
0x89: {  	s3 =	sld [smem:$0x3FFE];
	_ =	sdelay $0x1  }
0x8a: {  	s1 =	srdreg.scid  }
0x8b: {  	s0 =	sand.u32 $0x1, s1  }
0x8c: {  	s17 =	sshll.u32 s0, $0xA;
	s2 =	sadd.s32 s3, s2  }
0x8d: {  	s2 =	sadd.s32 s2, s17  }
0x8e: {  	[smem:$0x3FB0] =	sst s2  }
0x8f: {  	_ = 	snop  }
0x90: {  	s2 =	sld [smem:$0x3FD0];
	(tm) =	ssettm $0x1  }
0x91: {  	s18 =	sld [smem:$0x3FFB];
	_ =	sdelay $0x3  }
0x92: {  	_ =	strace s18  }
0x93: {  	s3 =	sld [smem:$0x3FFC];
	_ =	sdelay $0x3  }
0x94: {  	_ =	strace s3  }
0x95: {  	s3 =	sld [smem:$0x3FFD];
	_ =	sdelay $0x3  }
0x96: {  	_ =	strace s3  }
0x97: {  	_ =	strace $0x8FFFFFFF  }
0x98: {  	s19 =	sld [smem:$0x3FDB];
	_ =	sdelay $0x1  }
0x99: {  	s4 =	simm.s32 $_scs_section_size  }
0x9a: {  	s5 =	simm.s32 $_size__tile_overlayer_lowered;
	s6 =	simm.s32 $_tile_overlayer_lowered  }
0x9b: {  	s22 =	simm.s32 $0x1BFF;
	s21 =	sshll.u32 s6, $0x1;
	s3 =	sadd.s32 s4, s19  }
0x9c: {  	s7 =	simm.s32 $0x0;
	s20 =	sshll.u32 s5, $0x1;
	s5 =	sadd.s32 s21, s3  }
0x9d: {  	[timem:s7], [sflag:s22] =	dma.local [hbm:s5], s20  }
0x9e: {  	_ =	swait.ge [sflag:s22], s20  }
0x9f: {  	s4 =	ssub.s32 $0x0, s20;
	[sflag:s22] =	ssyncset.done $0x0  }
0xa0: {  	[sflag:s22] =	ssyncadd.s32 s4;
	_ =	sdelay $0x1  }
0xa1: {  	s23 =	simm.s32 $0x1B8B  }
0xa2: {  	_ =	swait.ge [sflag:s23], $0x1  }
0xa3: {  	[sflag:s23] =	ssyncset.done $0x0  }
0xa4: {  	s25 =	simm.s32 $0x1B8E;
	s24 =	sld [smem:$0x3FFE];
	[sflag:s23] =	ssyncadd.s32 $0xFFFFFFFF  }
0xa5: {  	s26 =	simm.s32 $execute0_lowered;
	[smem:$0x3FD2] =	sst s25  }
0xa6: {  	s5 =	sshll.u32 s26, $0x1;
	_ =	strace $0x8000004C;
	[dreg:$0x1] =	wrdreg $0xFFFFFFFF  }
0xa7: {  	s28 =	simm.s32 $_size_execute0_lowered;
	s3 =	sadd.s32 s3, s5;
	[dreg:$0x0] =	wrdreg $0x0  }
0xa8: {  	s5 =	sshll.u32 s28, $0x1;
	[dreg:$0x2] =	wrdreg s3  }
0xa9: {  	[dreg:$0x3] =	wrdreg s5  }
0xaa: {  	[dreg:$0x4] =	wrdreg $0xC0  }
0xab: {  	_ =	task [dreg:s7], $0x5FFFF  }
0xac: {  	[dreg:$0x1] =	wrdreg $0xFFFFFFFF  }
0xad: {  	[dreg:$0x0] =	wrdreg $0x60  }
0xae: {  	[dreg:$0x2] =	wrdreg s2  }
0xaf: {  	[dreg:$0x3] =	wrdreg s24  }
0xb0: {  	[dreg:$0x4] =	wrdreg $0x11000  }
0xb1: {  	[dreg:$0x5] =	wrdreg $0x9  }
0xb2: {  	_ =	task.clear_ibuf [dreg:s7], $0x6FFFF;
	_ =	strace $0x9000004C  }
0xb3: {  	s29 =	simm.s32 $0x9;
	_ =	strace $0x8000004E  }
0xb4: {  	_ =	swait.ge [sflag:s29], $0x1  }
0xb5: {  	[sflag:s29] =	ssyncadd.s32 $0xFFFFFFFF  }
0xb6: {  	_ =	strace $0x9000004E  }
0xb7: {  	_ =	sfence  }
0xb8: {  	s30 =	sld [smem:$0x0];
	_ =	sdelay $0x2  }
0xb9: {  	s31 =	sshll.u32 s1, $0xD;
	s1 =	sshrl.u32 s1, $0x2  }
0xba: {  	s3 =	sand.u32 $0x4000, s31;
	s1 =	sadd.s32 s1, s30  }
0xbb: {  	s0 =	sor.u32 s3, s0;
	s1 =	sshll.u32 s1, $0x11  }
0xbc: {  	s0 =	sor.u32 s1, s0  }
0xbd: {  	s0 =	sadd.s32 $0x8F2B, s0  }
0xbe: {  	[sflag:s0] =	ssyncadd.remote.s32 $0x1  }
0xbf: {  	_ =	sfence.sel $0xFFFF  }
0xc0: {  	[dreg:$0x0] =	wrdreg $0xFFFFFFFF;
	(pc) =	sbr.abs _section_cstart, $3  }
0xc1: {  	[dreg:$0x1] =	wrdreg $0xFFFFFFFF  }
0xc2: {  	_ =	task.clear_ibuf [dreg:s7], $0x2FFFF;
	_ =	strace $0x9FFFFFFF  }
0xc3: {  	(tm) =	ssettm $0x7FFFFFFF  }
tec
execute0_lowered:
.L_overlay_start_1:
0x0: {  	(tag) =	ssettag $0x1  }
0x1: {  	s1 =	rddreg [dreg:$0x0]  }
0x2: {  	s5 =	rddreg [dreg:$0x1]  }
0x3: {  	s3 =	rddreg [dreg:$0x2]  }
0x4: {  	s0 =	rddreg [dreg:$0x3]  }
0x5: {  	s6 =	srdreg.scid;
	s2 =	stileid.u32;
	s4 =	simm.s32 $0x0  }
0x6: {  	s15 =	simm.s32 $0x100;
	s16 =	simm.s32 $0x1;
	s17 =	simm.s32 $0xAF00  }
0x7: {  	s18 =	simm.s32 $0xAF10;
	s19 =	simm.s32 $0x10;
	s20 =	simm.s32 $0xAF20  }
0x8: {  	s21 =	simm.s32 $0x0;
	s6 =	sand.u32 $0x1, s6;
	s7 =	smul.u32 $0x4F00, s2  }
0x9: {  	[smem:$0x7FF] =	sst s4;
	s9 =	sshll.u32 s2, $0x1;
	s12 =	smul.u32 $0x4E20, s2  }
0xa: {  	s11 =	sadd.s32 $0xE400, s5;
	s10 =	sadd.s32 $0x4600, s5;
	s8 =	smul.u32 $0x4F000, s6  }
0xb: {  	s9 =	sor.u32 s6, s9;
	s30 =	ssub.s32 $0x2, s6;
	s14 =	smul.u32 $0x2710, s6  }
0xc: {  	_ =	strace $0x8000004D;
	s9 =	smul.u32 $0x2710, s9;
	s13 =	sshrl.u32 s30, $0x1  }
0xd: {  	s8 =	sadd.s32 s7, s8;
	s13 =	ssub.s32 s30, s13;
	s12 =	sadd.s32 s14, s12  }
0xe: {  	s14 =	simm.s32 $0x80;
	s8 =	sshrl.u32 s8, $0x3;
	s9 =	sshrl.u32 s9, $0x3  }
0xf: {  	s12 =	sshrl.u32 s12, $0x3;
	s8 =	sadd.s32 s8, s5;
	s5 =	sadd.s32 s7, s3  }
0x10: {  	s31 =	sadd.s32 $0x4E0, s9;
	s9 =	smax.u32 s13, $0x1;
	s13 =	simm.s32 $0x2  }
0x11: {  	s6 =	sadd.s32 s11, s31;
	s7 =	sadd.s32 s10, s31;
	s8 =	sadd.s32 $0x18200, s8  }
0x12: {  	v0 =	vimm.f32 $0.0e+00;
	s10 =	sadd.s32 s12, s10;
	s11 =	sadd.s32 s12, s11;
	s12 =	simm.s32 $0x6000  }
.LBB2_1:
0x13: {  	s22 =	simm.s32 $0x80;
	s23 =	simm.s32 $0x0  }
.LBB2_2:
0x14: {  	p0 =	sne.s32 s22, $0x13B80;
	[tilespmem:s23+$0x6000] =	vst v0;
	s24 =	smov.u32 s22;
	s22 =	sadd.s32 $0x80, s22  }
.Ltmp0:
0x15: {  	[tilespmem:s23+$0x6010] =	vst v0;
	(pc) =	sbr.rel @p0 .LBB2_2-.Ltmp0, $2  }
0x16: {  	_ =	sdelay $0x2  }
0x17: {  	s23 =	sshra.s32 s24, $0x2  }
0x18: {  	[tilespmem:s23+$0x6000] =	vst v0  }
0x19: {  	[tilespmem:s23+$0x6010] =	vst v0  }
0x1a: {  	[spmem:s5] =	stream.linear.scatter [tilespmem:s12], [sflag:$0x2], $0x4F00, $0x38;
	[tilespmem:$0xB120] =	vst v63  }
0x1b: {  	_ =	swait.ge [sflag:s13], $0x4F00  }
0x1c: {  	[sflag:s13] =	ssyncset.done $0x0  }
0x1d: {  	[sflag:s13] =	ssyncadd.s32 $0xFFFFB100  }
0x1e: {  	s22 =	sadd.s32 $0x0, s11;
	[bflag:$0x0] =	sbarrier.arrive $0xFFFF  }
0x1f: {  	[tilespmem:s4], [sflag:$0x2] =	stream.linear.gather [hbm4b:s22+s4], $0x80, $0x38;
	[tilespmem:$0xB120] =	vst v63  }
0x20: {  	_ =	swait.ge [sflag:s13], $0x80  }
0x21: {  	[sflag:s13] =	ssyncset.done $0x0  }
0x22: {  	s31 =	sadd.s32 $0x0, s10;
	[sflag:s13] =	ssyncadd.s32 $0xFFFFFF80  }
0x23: {  	[tilespmem:s14], [sflag:$0x2] =	stream.linear.gather [hbm4b:s31+s4], $0x80, $0x38;
	[tilespmem:$0xB120] =	vst v63  }
0x24: {  	_ =	swait.ge [sflag:s13], $0x80  }
0x25: {  	[sflag:s13] =	ssyncset.done $0x0  }
0x26: {  	[sflag:s13] =	ssyncadd.s32 $0xFFFFFF80  }
0x27: {  	[tilespmem:s15], [sflag:$0x1] =	stream.indirect.gather [hbm4b:s1+s14], $0x20, s4, s14, $0xb8;
	[tilespmem:$0xB120] =	vst v63  }
0x28: {  	_ =	swait.ge [sflag:s16], $0x1000  }
0x29: {  	[sflag:s16] =	ssyncset.done $0x0  }
0x2a: {  	[sflag:s16] =	ssyncadd.s32 $0xFFFFF000  }
0x2b: {  	[spmem:s3] =	stream.indirect.scatter.add.f32 [tilespmem:s15], [sflag:$0x2], $0x20, s14, s14, $0xb8;
	[tilespmem:$0xB120] =	vst v63  }
0x2c: {  	_ =	swait.ge [sflag:s13], $0x1000  }
0x2d: {  	s23 =	simm.s32 $0x20;
	s22 =	simm.s32 $0x10;
	[sflag:s13] =	ssyncset.done $0x0  }
.LBB2_4:
0x2e: {  	s24 =	sadd.s32 s22, s11  }
0x2f: {  	[sflag:s13] =	ssyncadd.s32 $0xFFFFF000;
	s25 =	smov.u32 s23;
	s26 =	sadd.s32 $0x10, s23  }
0x30: {  	[tilespmem:s4], [sflag:$0x2] =	stream.linear.gather [hbm4b:s24+s4], $0x80, $0x38;
	[tilespmem:$0xB120] =	vst v63  }
0x31: {  	p0 =	sne.s32 s23, $0x4D0;
	_ =	swait.ge [sflag:s13], $0x80  }
0x32: {  	[sflag:s13] =	ssyncset.done $0x0  }
0x33: {  	s23 =	sadd.s32 s22, s10;
	s22 =	smov.u32 s25;
	[sflag:s13] =	ssyncadd.s32 $0xFFFFFF80  }
0x34: {  	[tilespmem:s14], [sflag:$0x2] =	stream.linear.gather [hbm4b:s23+s4], $0x80, $0x38;
	[tilespmem:$0xB120] =	vst v63  }
0x35: {  	_ =	swait.ge [sflag:s13], $0x80  }
0x36: {  	[sflag:s13] =	ssyncset.done $0x0  }
0x37: {  	[sflag:s13] =	ssyncadd.s32 $0xFFFFFF80  }
0x38: {  	[tilespmem:s15], [sflag:$0x1] =	stream.indirect.gather [hbm4b:s1+s14], $0x20, s4, s14, $0xb8;
	[tilespmem:$0xB120] =	vst v63  }
0x39: {  	_ =	swait.ge [sflag:s16], $0x1000  }
.Ltmp1:
0x3a: {  	[sflag:s16] =	ssyncset.done $0x0;
	(pc) =	sbr.rel @p0 .LBB2_4-.Ltmp1, $4  }
0x3b: {  	[sflag:s16] =	ssyncadd.s32 $0xFFFFF000  }
0x3c: {  	[spmem:s3] =	stream.indirect.scatter.add.f32 [tilespmem:s15], [sflag:$0x2], $0x20, s14, s14, $0xb8;
	[tilespmem:$0xB120] =	vst v63  }
0x3d: {  	_ =	swait.ge [sflag:s13], $0x1000  }
0x3e: {  	s23 =	smov.u32 s26;
	[sflag:s13] =	ssyncset.done $0x0  }
0x3f: {  	s23 =	sadd.s32 s22, s11;
	[sflag:s13] =	ssyncadd.s32 $0xFFFFF000  }
0x40: {  	[tilespmem:s4], [sflag:$0x2] =	stream.linear.gather [hbm4b:s23+s4], $0x80, $0x38;
	[tilespmem:$0xB120] =	vst v63  }
0x41: {  	_ =	swait.ge [sflag:s13], $0x80  }
0x42: {  	[sflag:s13] =	ssyncset.done $0x0  }
0x43: {  	s29 =	sadd.s32 s22, s10;
	[sflag:s13] =	ssyncadd.s32 $0xFFFFFF80  }
0x44: {  	[tilespmem:s14], [sflag:$0x2] =	stream.linear.gather [hbm4b:s29+s4], $0x80, $0x38;
	[tilespmem:$0xB120] =	vst v63  }
0x45: {  	_ =	swait.ge [sflag:s13], $0x80  }
0x46: {  	[sflag:s13] =	ssyncset.done $0x0  }
0x47: {  	[sflag:s13] =	ssyncadd.s32 $0xFFFFFF80  }
0x48: {  	[tilespmem:s15], [sflag:$0x1] =	stream.indirect.gather [hbm4b:s1+s14], $0x20, s4, s14, $0xb8;
	[tilespmem:$0xB120] =	vst v63  }
0x49: {  	_ =	swait.ge [sflag:s16], $0x1000  }
0x4a: {  	[sflag:s16] =	ssyncset.done $0x0  }
0x4b: {  	[sflag:s16] =	ssyncadd.s32 $0xFFFFF000  }
0x4c: {  	[spmem:s3] =	stream.indirect.scatter.add.f32 [tilespmem:s15], [sflag:$0x2], $0x20, s14, s14, $0xb8;
	[tilespmem:$0xB120] =	vst v63  }
0x4d: {  	_ =	swait.ge [sflag:s13], $0x1000  }
0x4e: {  	[sflag:s13] =	ssyncset.done $0x0  }
0x4f: {  	[sflag:s13] =	ssyncadd.s32 $0xFFFFF000  }
0x50: {  	[tilespmem:s17], [sflag:$0x2] =	stream.linear.gather [hbm4b:s6+s4], $0x10, $0x38;
	[tilespmem:$0xB120] =	vst v63  }
0x51: {  	_ =	swait.ge [sflag:s13], $0x10  }
0x52: {  	[sflag:s13] =	ssyncset.done $0x0  }
0x53: {  	[sflag:s13] =	ssyncadd.s32 $0xFFFFFFF0  }
0x54: {  	[tilespmem:s18], [sflag:$0x2] =	stream.linear.gather [hbm4b:s7+s4], $0x10, $0x38;
	[tilespmem:$0xB120] =	vst v63  }
0x55: {  	_ =	swait.ge [sflag:s13], $0x10  }
0x56: {  	[sflag:s13] =	ssyncset.done $0x0  }
0x57: {  	[sflag:s13] =	ssyncadd.s32 $0xFFFFFFF0  }
0x58: {  	[tilespmem:s20], [sflag:$0x1] =	stream.indirect.gather [hbm4b:s1+s19], $0x20, s17, s19, $0xb8;
	[tilespmem:$0xB120] =	vst v63  }
0x59: {  	_ =	swait.ge [sflag:s16], $0x200  }
0x5a: {  	[sflag:s16] =	ssyncset.done $0x0  }
0x5b: {  	[sflag:s16] =	ssyncadd.s32 $0xFFFFFE00  }
0x5c: {  	[spmem:s3] =	stream.indirect.scatter.add.f32 [tilespmem:s20], [sflag:$0x2], $0x20, s18, s19, $0xb8;
	[tilespmem:$0xB120] =	vst v63  }
0x5d: {  	_ =	swait.ge [sflag:s13], $0x200  }
0x5e: {  	s30 =	sshll.u32 s2, $0x6;
	s21 =	sadd.s32 $0x1, s21;
	[sflag:s13] =	ssyncset.done $0x0  }
0x5f: {  	s31 =	sshrl.u32 s5, $0x3;
	p0 =	sne.s32 s21, s9;
	[sflag:s13] =	ssyncadd.s32 $0xFFFFFE00  }
.Ltmp2:
0x60: {  	s22 =	sor.u32 $0x1C02, s30;
	[bflag:$0x0] =	sbarrier.arrive $0xFFFF;
	(pc) =	sbr.rel @p0 .LBB2_1-.Ltmp2, $4  }
0x61: {  	[hbm:s8], [sflag:s22] =	dma.local [spmem:s31], $0x9E0  }
0x62: {  	_ =	swait.ge [sflag:s13], $0x9E0  }
0x63: {  	[sflag:s13] =	ssyncset.done $0x0  }
0x64: {  	[sflag:s13] =	ssyncadd.s32 $0xFFFFF620  }
0x65: {  	_ =	sfence.sel $0x180000  }
0x66: {  	[bflag:$0x0] =	sbarrier.arrive $0xFFFF  }
0x67: {  	p0 =	sne.s32 s2, $0x0;
	_ =	strace $0x9000004D  }
0x68: {  	s0 =	sadd.s32 @!p0 $0x100000, s0;
	[bflag:$0x2] =	sbarrier.arrive $0xFFFF  }
0x69: {  	[sflag:s0] =	ssyncadd.tile.s32 @!p0 $0x1;
	_ =	shalt  }
.Lfunc_end2:
_tile_overlayer_lowered:
.L_overlay_start_2:
0x6a: {  	(tag) =	ssettag $0x2  }
0x6b: {  	s0 =	rddreg [dreg:$0x0];
	s2 =	stileid.u32  }
0x6c: {  	s1 =	rddreg [dreg:$0x1];
	p0 =	sne.s32 s2, $0x0  }
0x6d: {  	s3 =	rddreg [dreg:$0x2];
	[bflag:$0x3] =	sbarrier.arrive $0xFFFF;
	s2 =	simm.s32 @!p0 $0x1C02  }
0x6e: {  	[timem:s3], [sflag:s2] =	dma.local @!p0 [hbm:s0], s1  }
0x6f: {  	s0 =	simm.s32 @!p0 $0x2  }
0x70: {  	_ =	swait.ge @!p0 [sflag:s0], s1  }
0x71: {  	s1 =	ssub.s32 @!p0 $0x0, s1;
	[sflag:s0] =	ssyncset.done @!p0 $0x0  }
0x72: {  	[sflag:s0] =	ssyncadd.s32 @!p0 s1  }
0x73: {  	[bflag:$0x3] =	sbarrier.arrive $0xFFFF  }
0x74: {  	_ =	shalt  }

</sc_bundles>
